<compile_context>
chip_gen: v7x
topology: tpu7x:2x2x1
jax: 0.10.2.dev20260603
libtpu: 0.0.44.dev20260713+nightly
codegen_flags: <defaults>
</compile_context>

<pallas_src>
import functools

import jax
import jax.numpy as jnp
from jax import lax
from jax.experimental import pallas as pl
from jax.experimental.pallas import tpu as pltpu
from jax.experimental.pallas import tpu_sc as plsc

N = 10000
E = 320000
C = 128
NC = 2
NS = 16
NW = NC * NS
EPW = E // NW
NPAD = 10240
RPS = NPAD // NS
EPW2 = 10240
CHUNK = 128
NCHUNK = EPW2 // CHUNK
G = 40
NG = NCHUNK // G

_mesh = plsc.VectorSubcoreMesh(core_axis_name="c", subcore_axis_name="s",
                               num_cores=NC, num_subcores=NS)


def _make_segsum(with_deg: bool):
    out_type = [jax.ShapeDtypeStruct((NC, NPAD, C), jnp.float32)]
    scratch = [
        pltpu.VMEM((G, CHUNK), jnp.int32),
        pltpu.VMEM((G, CHUNK), jnp.int32),
        pltpu.VMEM((CHUNK, C), jnp.float32),
        pltpu.VMEM((CHUNK, C), jnp.float32),
        pltpu.SemaphoreType.DMA,
        pltpu.SemaphoreType.DMA,
        pltpu.VMEM_SHARED((NPAD, C), jnp.float32),
    ]
    if with_deg:
        out_type.append(jax.ShapeDtypeStruct((NC, NPAD), jnp.float32))
        scratch += [
            pltpu.VMEM((CHUNK,), jnp.float32),
            pltpu.SemaphoreType.DMA,
            pltpu.VMEM_SHARED((NPAD,), jnp.float32),
        ]

    @functools.partial(pl.kernel, out_type=out_type, mesh=_mesh,
                       scratch_types=scratch)
    def segsum(*refs):
        if with_deg:
            (feat, srcs, dsts, zeros2, zeros1, ones1, aggr_out, deg_out,
             idx_s, idx_d, rows0, rows1, gsem0, gsem1,
             aggr_sh, ones_v, dsem, deg_sh) = refs
        else:
            (feat, srcs, dsts, zeros2, aggr_out,
             idx_s, idx_d, rows0, rows1, gsem0, gsem1, aggr_sh) = refs
        c = lax.axis_index("c")
        s = lax.axis_index("s")
        wid = s * NC + c
        row0 = s * RPS
        pltpu.sync_copy(zeros2, aggr_sh.at[pl.ds(row0, RPS)])
        if with_deg:
            pltpu.sync_copy(zeros1, deg_sh.at[pl.ds(row0, RPS)])
            pltpu.sync_copy(ones1, ones_v)
        plsc.subcore_barrier()

        def gissue(j, rows, gsem):
            pltpu.async_copy(feat.at[idx_s.at[j]], rows, gsem)

        def gwait(j, rows, gsem):
            pltpu.make_async_copy(feat.at[pl.ds(0, CHUNK)], rows,
                                  gsem).wait()

        def dissue(j):
            pltpu.async_copy(ones_v, deg_sh.at[idx_d.at[j]], dsem, add=True)

        def dwait(j):
            pltpu.make_async_copy(feat.at[0], ones_v, dsem).wait()

        def group(g, carry):
            pltpu.sync_copy(srcs.at[wid, pl.ds(g * G, G)], idx_s)
            pltpu.sync_copy(dsts.at[wid, pl.ds(g * G, G)], idx_d)
            gissue(0, rows0, gsem0)
            gissue(1, rows1, gsem1)
            if with_deg:
                dissue(0)

            def body(i, carry2):
                jj = 2 * i
                for b, (rows, gsem) in enumerate(((rows0, gsem0),
                                                  (rows1, gsem1))):
                    j = jj + b
                    gwait(j, rows, gsem)
                    pltpu.sync_copy(rows, aggr_sh.at[idx_d.at[j]], add=True)
                    if with_deg:
                        dwait(j)
                        dissue(j + 1)
                    gissue(j + 2, rows, gsem)
                return carry2

            lax.fori_loop(0, G // 2 - 1, body, 0)
            for b, (rows, gsem) in enumerate(((rows0, gsem0),
                                              (rows1, gsem1))):
                j = G - 2 + b
                gwait(j, rows, gsem)
                pltpu.sync_copy(rows, aggr_sh.at[idx_d.at[j]], add=True)
                if with_deg:
                    dwait(j)
                    if b == 0:
                        dissue(j + 1)
            return carry

        lax.fori_loop(0, NG, group, 0)
        plsc.subcore_barrier()
        pltpu.sync_copy(aggr_sh.at[pl.ds(row0, RPS)],
                        aggr_out.at[c, pl.ds(row0, RPS)])
        if with_deg:
            pltpu.sync_copy(deg_sh.at[pl.ds(row0, RPS)],
                            deg_out.at[c, pl.ds(row0, RPS)])

    return segsum


_segsum_deg = _make_segsum(True)
_segsum = _make_segsum(False)

BLK = 1000
GRID = N // BLK


def _t1_body(aggr_ref, deg_ref, x_ref, wl_ref, wr_ref, b_ref, o_ref):
    aggr = aggr_ref[0] + aggr_ref[1]
    deg = deg_ref[0] + deg_ref[1]
    mean = aggr / jnp.maximum(deg, 1.0)
    h = jnp.dot(mean, wl_ref[...], preferred_element_type=jnp.float32)
    h += jnp.dot(x_ref[...], wr_ref[...], preferred_element_type=jnp.float32)
    h += b_ref[...]
    o_ref[...] = jnp.maximum(h, 0.0)


def _t2_body(aggr_ref, deg_ref, h_ref, wl_ref, wr_ref, b_ref,
             wlin_ref, blin_ref, o_ref):
    aggr = aggr_ref[0] + aggr_ref[1]
    deg = deg_ref[0] + deg_ref[1]
    mean = aggr / jnp.maximum(deg, 1.0)
    h2 = jnp.dot(mean, wl_ref[...], preferred_element_type=jnp.float32)
    h2 += jnp.dot(h_ref[...], wr_ref[...], preferred_element_type=jnp.float32)
    h2 += b_ref[...]
    h2 = jnp.maximum(h2, 0.0)
    o_ref[...] = (jnp.dot(h2, wlin_ref[...], preferred_element_type=jnp.float32)
                  + blin_ref[...])


_W_SPEC = pl.BlockSpec((C, C), lambda i: (0, 0))
_B_SPEC = pl.BlockSpec((1, C), lambda i: (0, 0))
_ROW_SPEC = pl.BlockSpec((BLK, C), lambda i: (i, 0))
_AGGR_SPEC = pl.BlockSpec((NC, BLK, C), lambda i: (0, i, 0))
_DEG_SPEC = pl.BlockSpec((NC, BLK, 1), lambda i: (0, i, 0))

_t1 = pl.pallas_call(
    _t1_body,
    grid=(GRID,),
    in_specs=[_AGGR_SPEC, _DEG_SPEC, _ROW_SPEC, _W_SPEC, _W_SPEC, _B_SPEC],
    out_specs=_ROW_SPEC,
    out_shape=jax.ShapeDtypeStruct((N, C), jnp.float32),
)

_t2 = pl.pallas_call(
    _t2_body,
    grid=(GRID,),
    in_specs=[_AGGR_SPEC, _DEG_SPEC, _ROW_SPEC, _W_SPEC, _W_SPEC, _B_SPEC,
              _W_SPEC, _B_SPEC],
    out_specs=_ROW_SPEC,
    out_shape=jax.ShapeDtypeStruct((N, C), jnp.float32),
)


def kernel(x, edge_index, Wl1, Wr1, b1, Wl2, Wr2, b2, Wlin, blin):
    npad_e = EPW2 - EPW
    src = jnp.concatenate(
        [edge_index[0].astype(jnp.int32).reshape(NW, EPW),
         jnp.broadcast_to(jnp.arange(npad_e, dtype=jnp.int32), (NW, npad_e))],
        axis=1).reshape(NW, NCHUNK, CHUNK)
    dst = jnp.concatenate(
        [edge_index[1].astype(jnp.int32).reshape(NW, EPW),
         jnp.broadcast_to(jnp.arange(N, N + npad_e, dtype=jnp.int32),
                          (NW, npad_e))],
        axis=1).reshape(NW, NCHUNK, CHUNK)
    zeros2 = jnp.zeros((RPS, C), jnp.float32)
    zeros1 = jnp.zeros((RPS,), jnp.float32)
    ones1 = jnp.ones((CHUNK,), jnp.float32)

    aggr1, deg = _segsum_deg(x, src, dst, zeros2, zeros1, ones1)
    deg3 = deg.reshape(NC, NPAD, 1)
    h = _t1(aggr1, deg3, x, Wl1, Wr1, b1.reshape(1, C))
    (aggr2,) = _segsum(h, src, dst, zeros2)
    return _t2(aggr2, deg3, h, Wl2, Wr2, b2.reshape(1, C),
               Wlin, blin.reshape(1, C))

# --- scband reference (transcript-rebuilt; emitter-appended) ---
"""Pipeline reference for scband-homogeneous-gnn-19155554140464 (READ-ONLY COPY).

The authoritative reference and input builder live on the scoring server;
editing this copy changes nothing except your own understanding.
"""

import jax, jax.numpy as jnp
import numpy as np

N = 10000
E = 320000
IN_C = 128
HID = 128
OUT_C = 128


def setup_inputs(seed: int = 0) -> dict:
    key = jax.random.key(seed)
    ks = jax.random.split(key, 10)
    x = jax.random.normal(ks[0], (N, IN_C), dtype=jnp.float32)
    edge_index = jax.random.randint(ks[1], (2, E), 0, N, dtype=jnp.int64)
    def glorot(k, shape):
        fan_in, fan_out = shape[0], shape[1]
        lim = np.sqrt(6.0 / (fan_in + fan_out))
        return jax.random.uniform(k, shape, dtype=jnp.float32, minval=-lim, maxval=lim)
    Wl1 = glorot(ks[2], (IN_C, HID))
    Wr1 = glorot(ks[3], (IN_C, HID))
    b1 = jnp.zeros((HID,), dtype=jnp.float32)
    Wl2 = glorot(ks[4], (HID, HID))
    Wr2 = glorot(ks[5], (HID, HID))
    b2 = jnp.zeros((HID,), dtype=jnp.float32)
    Wlin = glorot(ks[6], (HID, OUT_C))
    blin = jnp.zeros((OUT_C,), dtype=jnp.float32)
    return {"x": x, "edge_index": edge_index, "Wl1": Wl1, "Wr1": Wr1, "b1": b1,
            "Wl2": Wl2, "Wr2": Wr2, "b2": b2, "Wlin": Wlin, "blin": blin}


def _sage_conv(x, edge_index, Wl, Wr, b):
    # PyG SAGEConv (mean aggregation): out = lin_l(mean_{j in N(i)} x_j) + lin_r(x_i)
    src = edge_index[0]
    dst = edge_index[1]
    msgs = jnp.take(x, src, axis=0)                      # gather source features
    aggr = jax.ops.segment_sum(msgs, dst, num_segments=x.shape[0])  # scatter-add by dst
    deg = jax.ops.segment_sum(jnp.ones((edge_index.shape[1],), dtype=x.dtype), dst,
                              num_segments=x.shape[0])
    aggr = aggr / jnp.clip(deg, 1.0, None)[:, None]
    return aggr @ Wl + x @ Wr + b


def reference(x, edge_index, Wl1, Wr1, b1, Wl2, Wr2, b2, Wlin, blin):
    h = _sage_conv(x, edge_index, Wl1, Wr1, b1)
    h = jax.nn.relu(h)
    # dropout is identity in eval mode (training=False)
    h = _sage_conv(h, edge_index, Wl2, Wr2, b2)
    h = jax.nn.relu(h)
    out = h @ Wlin + blin
    return out

if __name__ == "__main__":
    import jax
    _d = setup_inputs()
    print(jax.jit(kernel)(*tuple(_d.values())))

</pallas_src>

<mosaic_0001>
#map = affine_map<(d0, d1) -> (0, 0)>
#map1 = affine_map<(d0, d1) -> (0, 0, 0)>
#map2 = affine_map<(d0, d1) -> (0)>
module attributes {stable_mosaic.version = 14 : i64} {
  func.func @segsum(%arg0: i32, %arg1: i32, %arg2: memref<10000x128xf32, #tpu.memory_space<hbm>>, %arg3: memref<32x80x128xi32, #tpu.memory_space<hbm>>, %arg4: memref<32x80x128xi32, #tpu.memory_space<hbm>>, %arg5: memref<640x128xf32, #tpu.memory_space<hbm>>, %arg6: memref<640xf32, #tpu.memory_space<hbm>>, %arg7: memref<128xf32, #tpu.memory_space<hbm>>, %arg8: memref<2x10240x128xf32, #tpu.memory_space<hbm>>, %arg9: memref<2x10240xf32, #tpu.memory_space<hbm>>, %arg10: memref<40x128xi32, #tpu.memory_space<vmem>>, %arg11: memref<40x128xi32, #tpu.memory_space<vmem>>, %arg12: memref<128x128xf32, #tpu.memory_space<vmem>>, %arg13: memref<128x128xf32, #tpu.memory_space<vmem>>, %arg14: memref<!tpu.dma_semaphore, #tpu.memory_space<semaphore_mem>>, %arg15: memref<!tpu.dma_semaphore, #tpu.memory_space<semaphore_mem>>, %arg16: memref<10240x128xf32, #tpu.memory_space<vmem_shared>>, %arg17: memref<128xf32, #tpu.memory_space<vmem>>, %arg18: memref<!tpu.dma_semaphore, #tpu.memory_space<semaphore_mem>>, %arg19: memref<10240xf32, #tpu.memory_space<vmem_shared>>) attributes {dimension_semantics = [#tpu.dimension_semantics<core_parallel>, #tpu.dimension_semantics<subcore_parallel>], iteration_bounds = array<i64: 2, 16>, scalar_prefetch = 0 : i64, scratch_operands = 10 : i64, tpu.core_type = #tpu.core_type<sc_vector_subcore>, window_params = [{transform_indices = #map}, {transform_indices = #map1}, {transform_indices = #map1}, {transform_indices = #map}, {transform_indices = #map2}, {transform_indices = #map2}, {transform_indices = #map1}, {transform_indices = #map}]} {
    %mul3A = arith.constant 2 : i32
    %mul3A_0 = arith.muli %arg1, %mul3A : i32
    %add3A = arith.addi %mul3A_0, %arg0 : i32
    %mul3A_1 = arith.constant 640 : i32
    %mul3A_2 = arith.muli %arg1, %mul3A_1 : i32
    "tpu.region"() ({
      %run_scoped3A = tpu.sem_alloc : memref<!tpu.dma_semaphore, #tpu.memory_space<semaphore_mem>>
      %dma_start3A = arith.constant 0 : i32
      %dma_start3A_9 = tpu.memref_slice %arg16[%mul3A_2, %dma_start3A] : memref<10240x128xf32, #tpu.memory_space<vmem_shared>> -> memref<640x128xf32, #tpu.memory_space<vmem_shared>>
      tpu.enqueue_dma source(%arg5 : memref<640x128xf32, #tpu.memory_space<hbm>>) target(%dma_start3A_9 : memref<640x128xf32, #tpu.memory_space<vmem_shared>>) target_semaphore(%run_scoped3A : memref<!tpu.dma_semaphore, #tpu.memory_space<semaphore_mem>>)
      %dma_wait3A = arith.constant 0 : i32
      %dma_wait3A_10 = tpu.memref_slice %arg16[%mul3A_2, %dma_wait3A] : memref<10240x128xf32, #tpu.memory_space<vmem_shared>> -> memref<640x128xf32, #tpu.memory_space<vmem_shared>>
      tpu.wait_dma2 semaphore(%run_scoped3A : memref<!tpu.dma_semaphore, #tpu.memory_space<semaphore_mem>>) src(%arg5 : memref<640x128xf32, #tpu.memory_space<hbm>>) dst(%dma_wait3A_10 : memref<640x128xf32, #tpu.memory_space<vmem_shared>>)
      tpu.yield
    }) : () -> ()
    "tpu.region"() ({
      %run_scoped3A = tpu.sem_alloc : memref<!tpu.dma_semaphore, #tpu.memory_space<semaphore_mem>>
      %dma_start3A = tpu.memref_slice %arg19[%mul3A_2] : memref<10240xf32, #tpu.memory_space<vmem_shared>> -> memref<640xf32, #tpu.memory_space<vmem_shared>>
      tpu.enqueue_dma source(%arg6 : memref<640xf32, #tpu.memory_space<hbm>>) target(%dma_start3A : memref<640xf32, #tpu.memory_space<vmem_shared>>) target_semaphore(%run_scoped3A : memref<!tpu.dma_semaphore, #tpu.memory_space<semaphore_mem>>)
      %dma_wait3A = tpu.memref_slice %arg19[%mul3A_2] : memref<10240xf32, #tpu.memory_space<vmem_shared>> -> memref<640xf32, #tpu.memory_space<vmem_shared>>
      tpu.wait_dma2 semaphore(%run_scoped3A : memref<!tpu.dma_semaphore, #tpu.memory_space<semaphore_mem>>) src(%arg6 : memref<640xf32, #tpu.memory_space<hbm>>) dst(%dma_wait3A : memref<640xf32, #tpu.memory_space<vmem_shared>>)
      tpu.yield
    }) : () -> ()
    "tpu.region"() ({
      %run_scoped3A = tpu.sem_alloc : memref<!tpu.dma_semaphore, #tpu.memory_space<semaphore_mem>>
      tpu.enqueue_dma source(%arg7 : memref<128xf32, #tpu.memory_space<hbm>>) target(%arg17 : memref<128xf32, #tpu.memory_space<vmem>>) target_semaphore(%run_scoped3A : memref<!tpu.dma_semaphore, #tpu.memory_space<semaphore_mem>>)
      tpu.wait_dma2 semaphore(%run_scoped3A : memref<!tpu.dma_semaphore, #tpu.memory_space<semaphore_mem>>) src(%arg7 : memref<128xf32, #tpu.memory_space<hbm>>) dst(%arg17 : memref<128xf32, #tpu.memory_space<vmem>>)
      tpu.yield
    }) : () -> ()
    %barrier3A = arith.constant 0 : index
    tpu.barrier barrier_id(%barrier3A)
    %scan3A = arith.constant 0 : i32
    %scan3A_3 = arith.constant 0 : i32
    %scan3A_4 = arith.constant 2 : i32
    %scan3A_5 = arith.addi %scan3A_3, %scan3A_4 : i32
    %scan3A_6 = arith.constant 1 : i32
    scf.for %scan3A_9 = %scan3A_3 to %scan3A_5 step %scan3A_6  : i32 {
      %mul3A_10 = arith.constant 40 : i32
      %mul3A_11 = arith.muli %scan3A_9, %mul3A_10 : i32
      "tpu.region"() ({
        %run_scoped3A_71 = tpu.sem_alloc : memref<!tpu.dma_semaphore, #tpu.memory_space<semaphore_mem>>
        %dma_start3A_72 = arith.constant 0 : i32
        %dma_start3A_73 = tpu.memref_slice %arg3[%add3A, %mul3A_11, %dma_start3A_72] : memref<32x80x128xi32, #tpu.memory_space<hbm>> -> memref<1x40x128xi32, #tpu.memory_space<hbm>>
        %dma_start3A_74 = tpu.memref_squeeze %dma_start3A_73 : memref<1x40x128xi32, #tpu.memory_space<hbm>> -> memref<40x128xi32, #tpu.memory_space<hbm>>
        %dma_start3A_75 = arith.constant 0 : i32
        %dma_start3A_76 = tpu.memref_slice %arg3[%add3A, %mul3A_11, %dma_start3A_75] : memref<32x80x128xi32, #tpu.memory_space<hbm>> -> memref<1x40x128xi32, #tpu.memory_space<hbm>>
        %dma_start3A_77 = tpu.memref_squeeze %dma_start3A_76 : memref<1x40x128xi32, #tpu.memory_space<hbm>> -> memref<40x128xi32, #tpu.memory_space<hbm>>
        tpu.enqueue_dma source(%dma_start3A_77 : memref<40x128xi32, #tpu.memory_space<hbm>>) target(%arg10 : memref<40x128xi32, #tpu.memory_space<vmem>>) target_semaphore(%run_scoped3A_71 : memref<!tpu.dma_semaphore, #tpu.memory_space<semaphore_mem>>)
        %dma_wait3A_78 = arith.constant 0 : i32
        %dma_wait3A_79 = tpu.memref_slice %arg3[%add3A, %mul3A_11, %dma_wait3A_78] : memref<32x80x128xi32, #tpu.memory_space<hbm>> -> memref<1x40x128xi32, #tpu.memory_space<hbm>>
        %dma_wait3A_80 = tpu.memref_squeeze %dma_wait3A_79 : memref<1x40x128xi32, #tpu.memory_space<hbm>> -> memref<40x128xi32, #tpu.memory_space<hbm>>
        %dma_wait3A_81 = arith.constant 0 : i32
        %dma_wait3A_82 = tpu.memref_slice %arg3[%add3A, %mul3A_11, %dma_wait3A_81] : memref<32x80x128xi32, #tpu.memory_space<hbm>> -> memref<1x40x128xi32, #tpu.memory_space<hbm>>
        %dma_wait3A_83 = tpu.memref_squeeze %dma_wait3A_82 : memref<1x40x128xi32, #tpu.memory_space<hbm>> -> memref<40x128xi32, #tpu.memory_space<hbm>>
        tpu.wait_dma2 semaphore(%run_scoped3A_71 : memref<!tpu.dma_semaphore, #tpu.memory_space<semaphore_mem>>) src(%dma_wait3A_83 : memref<40x128xi32, #tpu.memory_space<hbm>>) dst(%arg10 : memref<40x128xi32, #tpu.memory_space<vmem>>)
        tpu.yield
      }) : () -> ()
      %mul3A_12 = arith.constant 40 : i32
      %mul3A_13 = arith.muli %scan3A_9, %mul3A_12 : i32
      "tpu.region"() ({
        %run_scoped3A_71 = tpu.sem_alloc : memref<!tpu.dma_semaphore, #tpu.memory_space<semaphore_mem>>
        %dma_start3A_72 = arith.constant 0 : i32
        %dma_start3A_73 = tpu.memref_slice %arg4[%add3A, %mul3A_13, %dma_start3A_72] : memref<32x80x128xi32, #tpu.memory_space<hbm>> -> memref<1x40x128xi32, #tpu.memory_space<hbm>>
        %dma_start3A_74 = tpu.memref_squeeze %dma_start3A_73 : memref<1x40x128xi32, #tpu.memory_space<hbm>> -> memref<40x128xi32, #tpu.memory_space<hbm>>
        %dma_start3A_75 = arith.constant 0 : i32
        %dma_start3A_76 = tpu.memref_slice %arg4[%add3A, %mul3A_13, %dma_start3A_75] : memref<32x80x128xi32, #tpu.memory_space<hbm>> -> memref<1x40x128xi32, #tpu.memory_space<hbm>>
        %dma_start3A_77 = tpu.memref_squeeze %dma_start3A_76 : memref<1x40x128xi32, #tpu.memory_space<hbm>> -> memref<40x128xi32, #tpu.memory_space<hbm>>
        tpu.enqueue_dma source(%dma_start3A_77 : memref<40x128xi32, #tpu.memory_space<hbm>>) target(%arg11 : memref<40x128xi32, #tpu.memory_space<vmem>>) target_semaphore(%run_scoped3A_71 : memref<!tpu.dma_semaphore, #tpu.memory_space<semaphore_mem>>)
        %dma_wait3A_78 = arith.constant 0 : i32
        %dma_wait3A_79 = tpu.memref_slice %arg4[%add3A, %mul3A_13, %dma_wait3A_78] : memref<32x80x128xi32, #tpu.memory_space<hbm>> -> memref<1x40x128xi32, #tpu.memory_space<hbm>>
        %dma_wait3A_80 = tpu.memref_squeeze %dma_wait3A_79 : memref<1x40x128xi32, #tpu.memory_space<hbm>> -> memref<40x128xi32, #tpu.memory_space<hbm>>
        %dma_wait3A_81 = arith.constant 0 : i32
        %dma_wait3A_82 = tpu.memref_slice %arg4[%add3A, %mul3A_13, %dma_wait3A_81] : memref<32x80x128xi32, #tpu.memory_space<hbm>> -> memref<1x40x128xi32, #tpu.memory_space<hbm>>
        %dma_wait3A_83 = tpu.memref_squeeze %dma_wait3A_82 : memref<1x40x128xi32, #tpu.memory_space<hbm>> -> memref<40x128xi32, #tpu.memory_space<hbm>>
        tpu.wait_dma2 semaphore(%run_scoped3A_71 : memref<!tpu.dma_semaphore, #tpu.memory_space<semaphore_mem>>) src(%dma_wait3A_83 : memref<40x128xi32, #tpu.memory_space<hbm>>) dst(%arg11 : memref<40x128xi32, #tpu.memory_space<vmem>>)
        tpu.yield
      }) : () -> ()
      %dma_start3A = arith.constant 0 : i32
      %dma_start3A_14 = arith.constant 0 : i32
      %dma_start3A_15 = tpu.memref_slice %arg10[%dma_start3A, %dma_start3A_14] : memref<40x128xi32, #tpu.memory_space<vmem>> -> memref<1x128xi32, #tpu.memory_space<vmem>>
      %dma_start3A_16 = tpu.memref_squeeze %dma_start3A_15 : memref<1x128xi32, #tpu.memory_space<vmem>> -> memref<128xi32, #tpu.memory_space<vmem>>
      %dma_start3A_17 = arith.constant 0 : i32
      %dma_start3A_18 = arith.constant 0 : i32
      %dma_start3A_19 = tpu.memref_slice %arg2[%dma_start3A_17, %dma_start3A_18] : memref<10000x128xf32, #tpu.memory_space<hbm>> -> memref<10000x128xf32, #tpu.memory_space<hbm>>
      tpu.enqueue_indirect_dma source(%dma_start3A_19 : memref<10000x128xf32, #tpu.memory_space<hbm>>) target(%arg12 : memref<128x128xf32, #tpu.memory_space<vmem>>) offsets(%dma_start3A_16 : memref<128xi32, #tpu.memory_space<vmem>>) semaphore(%arg14 : memref<!tpu.dma_semaphore, #tpu.memory_space<semaphore_mem>>)
      %dma_start3A_20 = arith.constant 1 : i32
      %dma_start3A_21 = arith.constant 0 : i32
      %dma_start3A_22 = tpu.memref_slice %arg10[%dma_start3A_20, %dma_start3A_21] : memref<40x128xi32, #tpu.memory_space<vmem>> -> memref<1x128xi32, #tpu.memory_space<vmem>>
      %dma_start3A_23 = tpu.memref_squeeze %dma_start3A_22 : memref<1x128xi32, #tpu.memory_space<vmem>> -> memref<128xi32, #tpu.memory_space<vmem>>
      %dma_start3A_24 = arith.constant 0 : i32
      %dma_start3A_25 = arith.constant 0 : i32
      %dma_start3A_26 = tpu.memref_slice %arg2[%dma_start3A_24, %dma_start3A_25] : memref<10000x128xf32, #tpu.memory_space<hbm>> -> memref<10000x128xf32, #tpu.memory_space<hbm>>
      tpu.enqueue_indirect_dma source(%dma_start3A_26 : memref<10000x128xf32, #tpu.memory_space<hbm>>) target(%arg13 : memref<128x128xf32, #tpu.memory_space<vmem>>) offsets(%dma_start3A_23 : memref<128xi32, #tpu.memory_space<vmem>>) semaphore(%arg15 : memref<!tpu.dma_semaphore, #tpu.memory_space<semaphore_mem>>)
      %dma_start3A_27 = arith.constant 0 : i32
      %dma_start3A_28 = arith.constant 0 : i32
      %dma_start3A_29 = tpu.memref_slice %arg11[%dma_start3A_27, %dma_start3A_28] : memref<40x128xi32, #tpu.memory_space<vmem>> -> memref<1x128xi32, #tpu.memory_space<vmem>>
      %dma_start3A_30 = tpu.memref_squeeze %dma_start3A_29 : memref<1x128xi32, #tpu.memory_space<vmem>> -> memref<128xi32, #tpu.memory_space<vmem>>
      %dma_start3A_31 = arith.constant 0 : i32
      %dma_start3A_32 = tpu.memref_slice %arg19[%dma_start3A_31] : memref<10240xf32, #tpu.memory_space<vmem_shared>> -> memref<10240xf32, #tpu.memory_space<vmem_shared>>
      tpu.enqueue_indirect_dma source(%arg17 : memref<128xf32, #tpu.memory_space<vmem>>) target(%dma_start3A_32 : memref<10240xf32, #tpu.memory_space<vmem_shared>>) offsets(%dma_start3A_30 : memref<128xi32, #tpu.memory_space<vmem>>) semaphore(%arg18 : memref<!tpu.dma_semaphore, #tpu.memory_space<semaphore_mem>>) {add = true}
      %scan3A_33 = arith.constant 0 : i32
      %scan3A_34 = arith.constant 0 : i32
      %scan3A_35 = arith.constant 19 : i32
      %scan3A_36 = arith.addi %scan3A_34, %scan3A_35 : i32
      %scan3A_37 = arith.constant 1 : i32
      scf.for %scan3A_71 = %scan3A_34 to %scan3A_36 step %scan3A_37  : i32 {
        %mul3A_72 = arith.constant 2 : i32
        %mul3A_73 = arith.muli %mul3A_72, %scan3A_71 : i32
        %add3A_74 = arith.constant 0 : i32
        %add3A_75 = arith.addi %mul3A_73, %add3A_74 : i32
        %dma_wait3A_76 = arith.constant 0 : i32
        %dma_wait3A_77 = arith.constant 0 : i32
        %dma_wait3A_78 = tpu.memref_slice %arg2[%dma_wait3A_76, %dma_wait3A_77] : memref<10000x128xf32, #tpu.memory_space<hbm>> -> memref<128x128xf32, #tpu.memory_space<hbm>>
        %dma_wait3A_79 = arith.constant 0 : i32
        %dma_wait3A_80 = arith.constant 0 : i32
        %dma_wait3A_81 = tpu.memref_slice %arg2[%dma_wait3A_79, %dma_wait3A_80] : memref<10000x128xf32, #tpu.memory_space<hbm>> -> memref<128x128xf32, #tpu.memory_space<hbm>>
        tpu.wait_dma2 semaphore(%arg14 : memref<!tpu.dma_semaphore, #tpu.memory_space<semaphore_mem>>) src(%dma_wait3A_81 : memref<128x128xf32, #tpu.memory_space<hbm>>) dst(%arg12 : memref<128x128xf32, #tpu.memory_space<vmem>>)
        "tpu.region"() ({
          %run_scoped3A_134 = tpu.sem_alloc : memref<!tpu.dma_semaphore, #tpu.memory_space<semaphore_mem>>
          %dma_start3A_135 = arith.constant 0 : i32
          %dma_start3A_136 = tpu.memref_slice %arg11[%add3A_75, %dma_start3A_135] : memref<40x128xi32, #tpu.memory_space<vmem>> -> memref<1x128xi32, #tpu.memory_space<vmem>>
          %dma_start3A_137 = tpu.memref_squeeze %dma_start3A_136 : memref<1x128xi32, #tpu.memory_space<vmem>> -> memref<128xi32, #tpu.memory_space<vmem>>
          %dma_start3A_138 = arith.constant 0 : i32
          %dma_start3A_139 = arith.constant 0 : i32
          %dma_start3A_140 = tpu.memref_slice %arg16[%dma_start3A_138, %dma_start3A_139] : memref<10240x128xf32, #tpu.memory_space<vmem_shared>> -> memref<10240x128xf32, #tpu.memory_space<vmem_shared>>
          tpu.enqueue_indirect_dma source(%arg12 : memref<128x128xf32, #tpu.memory_space<vmem>>) target(%dma_start3A_140 : memref<10240x128xf32, #tpu.memory_space<vmem_shared>>) offsets(%dma_start3A_137 : memref<128xi32, #tpu.memory_space<vmem>>) semaphore(%run_scoped3A_134 : memref<!tpu.dma_semaphore, #tpu.memory_space<semaphore_mem>>) {add = true}
          %dma_wait3A_141 = arith.constant 0 : i32
          %dma_wait3A_142 = tpu.memref_slice %arg11[%add3A_75, %dma_wait3A_141] : memref<40x128xi32, #tpu.memory_space<vmem>> -> memref<1x128xi32, #tpu.memory_space<vmem>>
          %dma_wait3A_143 = tpu.memref_squeeze %dma_wait3A_142 : memref<1x128xi32, #tpu.memory_space<vmem>> -> memref<128xi32, #tpu.memory_space<vmem>>
          %dma_wait3A_144 = arith.constant 0 : i32
          %dma_wait3A_145 = arith.constant 0 : i32
          %dma_wait3A_146 = tpu.memref_slice %arg16[%dma_wait3A_144, %dma_wait3A_145] : memref<10240x128xf32, #tpu.memory_space<vmem_shared>> -> memref<10240x128xf32, #tpu.memory_space<vmem_shared>>
          tpu.wait_indirect_dma semaphore(%run_scoped3A_134 : memref<!tpu.dma_semaphore, #tpu.memory_space<semaphore_mem>>) src(%arg12 : memref<128x128xf32, #tpu.memory_space<vmem>>) dst(%dma_wait3A_146 : memref<10240x128xf32, #tpu.memory_space<vmem_shared>>)
          tpu.yield
        }) : () -> ()
        %dma_wait3A_82 = arith.constant 0 : i32
        %dma_wait3A_83 = arith.constant 0 : i32
        %dma_wait3A_84 = tpu.memref_slice %arg2[%dma_wait3A_82, %dma_wait3A_83] : memref<10000x128xf32, #tpu.memory_space<hbm>> -> memref<1x128xf32, #tpu.memory_space<hbm>>
        %dma_wait3A_85 = tpu.memref_squeeze %dma_wait3A_84 : memref<1x128xf32, #tpu.memory_space<hbm>> -> memref<128xf32, #tpu.memory_space<hbm>>
        %dma_wait3A_86 = arith.constant 0 : i32
        %dma_wait3A_87 = tpu.memref_slice %arg2[%dma_wait3A_82, %dma_wait3A_86] : memref<10000x128xf32, #tpu.memory_space<hbm>> -> memref<1x128xf32, #tpu.memory_space<hbm>>
        %dma_wait3A_88 = tpu.memref_squeeze %dma_wait3A_87 : memref<1x128xf32, #tpu.memory_space<hbm>> -> memref<128xf32, #tpu.memory_space<hbm>>
        tpu.wait_dma2 semaphore(%arg18 : memref<!tpu.dma_semaphore, #tpu.memory_space<semaphore_mem>>) src(%dma_wait3A_88 : memref<128xf32, #tpu.memory_space<hbm>>) dst(%arg17 : memref<128xf32, #tpu.memory_space<vmem>>)
        %add3A_89 = arith.constant 1 : i32
        %add3A_90 = arith.addi %add3A_75, %add3A_89 : i32
        %dma_start3A_91 = arith.constant 0 : i32
        %dma_start3A_92 = tpu.memref_slice %arg11[%add3A_90, %dma_start3A_91] : memref<40x128xi32, #tpu.memory_space<vmem>> -> memref<1x128xi32, #tpu.memory_space<vmem>>
        %dma_start3A_93 = tpu.memref_squeeze %dma_start3A_92 : memref<1x128xi32, #tpu.memory_space<vmem>> -> memref<128xi32, #tpu.memory_space<vmem>>
        %dma_start3A_94 = arith.constant 0 : i32
        %dma_start3A_95 = tpu.memref_slice %arg19[%dma_start3A_94] : memref<10240xf32, #tpu.memory_space<vmem_shared>> -> memref<10240xf32, #tpu.memory_space<vmem_shared>>
        tpu.enqueue_indirect_dma source(%arg17 : memref<128xf32, #tpu.memory_space<vmem>>) target(%dma_start3A_95 : memref<10240xf32, #tpu.memory_space<vmem_shared>>) offsets(%dma_start3A_93 : memref<128xi32, #tpu.memory_space<vmem>>) semaphore(%arg18 : memref<!tpu.dma_semaphore, #tpu.memory_space<semaphore_mem>>) {add = true}
        %add3A_96 = arith.constant 2 : i32
        %add3A_97 = arith.addi %add3A_75, %add3A_96 : i32
        %dma_start3A_98 = arith.constant 0 : i32
        %dma_start3A_99 = tpu.memref_slice %arg10[%add3A_97, %dma_start3A_98] : memref<40x128xi32, #tpu.memory_space<vmem>> -> memref<1x128xi32, #tpu.memory_space<vmem>>
        %dma_start3A_100 = tpu.memref_squeeze %dma_start3A_99 : memref<1x128xi32, #tpu.memory_space<vmem>> -> memref<128xi32, #tpu.memory_space<vmem>>
        %dma_start3A_101 = arith.constant 0 : i32
        %dma_start3A_102 = arith.constant 0 : i32
        %dma_start3A_103 = tpu.memref_slice %arg2[%dma_start3A_101, %dma_start3A_102] : memref<10000x128xf32, #tpu.memory_space<hbm>> -> memref<10000x128xf32, #tpu.memory_space<hbm>>
        tpu.enqueue_indirect_dma source(%dma_start3A_103 : memref<10000x128xf32, #tpu.memory_space<hbm>>) target(%arg12 : memref<128x128xf32, #tpu.memory_space<vmem>>) offsets(%dma_start3A_100 : memref<128xi32, #tpu.memory_space<vmem>>) semaphore(%arg14 : memref<!tpu.dma_semaphore, #tpu.memory_space<semaphore_mem>>)
        %add3A_104 = arith.constant 1 : i32
        %add3A_105 = arith.addi %mul3A_73, %add3A_104 : i32
        %dma_wait3A_106 = arith.constant 0 : i32
        %dma_wait3A_107 = arith.constant 0 : i32
        %dma_wait3A_108 = tpu.memref_slice %arg2[%dma_wait3A_106, %dma_wait3A_107] : memref<10000x128xf32, #tpu.memory_space<hbm>> -> memref<128x128xf32, #tpu.memory_space<hbm>>
        %dma_wait3A_109 = arith.constant 0 : i32
        %dma_wait3A_110 = arith.constant 0 : i32
        %dma_wait3A_111 = tpu.memref_slice %arg2[%dma_wait3A_109, %dma_wait3A_110] : memref<10000x128xf32, #tpu.memory_space<hbm>> -> memref<128x128xf32, #tpu.memory_space<hbm>>
        tpu.wait_dma2 semaphore(%arg15 : memref<!tpu.dma_semaphore, #tpu.memory_space<semaphore_mem>>) src(%dma_wait3A_111 : memref<128x128xf32, #tpu.memory_space<hbm>>) dst(%arg13 : memref<128x128xf32, #tpu.memory_space<vmem>>)
        "tpu.region"() ({
          %run_scoped3A_134 = tpu.sem_alloc : memref<!tpu.dma_semaphore, #tpu.memory_space<semaphore_mem>>
          %dma_start3A_135 = arith.constant 0 : i32
          %dma_start3A_136 = tpu.memref_slice %arg11[%add3A_105, %dma_start3A_135] : memref<40x128xi32, #tpu.memory_space<vmem>> -> memref<1x128xi32, #tpu.memory_space<vmem>>
          %dma_start3A_137 = tpu.memref_squeeze %dma_start3A_136 : memref<1x128xi32, #tpu.memory_space<vmem>> -> memref<128xi32, #tpu.memory_space<vmem>>
          %dma_start3A_138 = arith.constant 0 : i32
          %dma_start3A_139 = arith.constant 0 : i32
          %dma_start3A_140 = tpu.memref_slice %arg16[%dma_start3A_138, %dma_start3A_139] : memref<10240x128xf32, #tpu.memory_space<vmem_shared>> -> memref<10240x128xf32, #tpu.memory_space<vmem_shared>>
          tpu.enqueue_indirect_dma source(%arg13 : memref<128x128xf32, #tpu.memory_space<vmem>>) target(%dma_start3A_140 : memref<10240x128xf32, #tpu.memory_space<vmem_shared>>) offsets(%dma_start3A_137 : memref<128xi32, #tpu.memory_space<vmem>>) semaphore(%run_scoped3A_134 : memref<!tpu.dma_semaphore, #tpu.memory_space<semaphore_mem>>) {add = true}
          %dma_wait3A_141 = arith.constant 0 : i32
          %dma_wait3A_142 = tpu.memref_slice %arg11[%add3A_105, %dma_wait3A_141] : memref<40x128xi32, #tpu.memory_space<vmem>> -> memref<1x128xi32, #tpu.memory_space<vmem>>
          %dma_wait3A_143 = tpu.memref_squeeze %dma_wait3A_142 : memref<1x128xi32, #tpu.memory_space<vmem>> -> memref<128xi32, #tpu.memory_space<vmem>>
          %dma_wait3A_144 = arith.constant 0 : i32
          %dma_wait3A_145 = arith.constant 0 : i32
          %dma_wait3A_146 = tpu.memref_slice %arg16[%dma_wait3A_144, %dma_wait3A_145] : memref<10240x128xf32, #tpu.memory_space<vmem_shared>> -> memref<10240x128xf32, #tpu.memory_space<vmem_shared>>
          tpu.wait_indirect_dma semaphore(%run_scoped3A_134 : memref<!tpu.dma_semaphore, #tpu.memory_space<semaphore_mem>>) src(%arg13 : memref<128x128xf32, #tpu.memory_space<vmem>>) dst(%dma_wait3A_146 : memref<10240x128xf32, #tpu.memory_space<vmem_shared>>)
          tpu.yield
        }) : () -> ()
        %dma_wait3A_112 = arith.constant 0 : i32
        %dma_wait3A_113 = arith.constant 0 : i32
        %dma_wait3A_114 = tpu.memref_slice %arg2[%dma_wait3A_112, %dma_wait3A_113] : memref<10000x128xf32, #tpu.memory_space<hbm>> -> memref<1x128xf32, #tpu.memory_space<hbm>>
        %dma_wait3A_115 = tpu.memref_squeeze %dma_wait3A_114 : memref<1x128xf32, #tpu.memory_space<hbm>> -> memref<128xf32, #tpu.memory_space<hbm>>
        %dma_wait3A_116 = arith.constant 0 : i32
        %dma_wait3A_117 = tpu.memref_slice %arg2[%dma_wait3A_112, %dma_wait3A_116] : memref<10000x128xf32, #tpu.memory_space<hbm>> -> memref<1x128xf32, #tpu.memory_space<hbm>>
        %dma_wait3A_118 = tpu.memref_squeeze %dma_wait3A_117 : memref<1x128xf32, #tpu.memory_space<hbm>> -> memref<128xf32, #tpu.memory_space<hbm>>
        tpu.wait_dma2 semaphore(%arg18 : memref<!tpu.dma_semaphore, #tpu.memory_space<semaphore_mem>>) src(%dma_wait3A_118 : memref<128xf32, #tpu.memory_space<hbm>>) dst(%arg17 : memref<128xf32, #tpu.memory_space<vmem>>)
        %add3A_119 = arith.constant 1 : i32
        %add3A_120 = arith.addi %add3A_105, %add3A_119 : i32
        %dma_start3A_121 = arith.constant 0 : i32
        %dma_start3A_122 = tpu.memref_slice %arg11[%add3A_120, %dma_start3A_121] : memref<40x128xi32, #tpu.memory_space<vmem>> -> memref<1x128xi32, #tpu.memory_space<vmem>>
        %dma_start3A_123 = tpu.memref_squeeze %dma_start3A_122 : memref<1x128xi32, #tpu.memory_space<vmem>> -> memref<128xi32, #tpu.memory_space<vmem>>
        %dma_start3A_124 = arith.constant 0 : i32
        %dma_start3A_125 = tpu.memref_slice %arg19[%dma_start3A_124] : memref<10240xf32, #tpu.memory_space<vmem_shared>> -> memref<10240xf32, #tpu.memory_space<vmem_shared>>
        tpu.enqueue_indirect_dma source(%arg17 : memref<128xf32, #tpu.memory_space<vmem>>) target(%dma_start3A_125 : memref<10240xf32, #tpu.memory_space<vmem_shared>>) offsets(%dma_start3A_123 : memref<128xi32, #tpu.memory_space<vmem>>) semaphore(%arg18 : memref<!tpu.dma_semaphore, #tpu.memory_space<semaphore_mem>>) {add = true}
        %add3A_126 = arith.constant 2 : i32
        %add3A_127 = arith.addi %add3A_105, %add3A_126 : i32
        %dma_start3A_128 = arith.constant 0 : i32
        %dma_start3A_129 = tpu.memref_slice %arg10[%add3A_127, %dma_start3A_128] : memref<40x128xi32, #tpu.memory_space<vmem>> -> memref<1x128xi32, #tpu.memory_space<vmem>>
        %dma_start3A_130 = tpu.memref_squeeze %dma_start3A_129 : memref<1x128xi32, #tpu.memory_space<vmem>> -> memref<128xi32, #tpu.memory_space<vmem>>
        %dma_start3A_131 = arith.constant 0 : i32
        %dma_start3A_132 = arith.constant 0 : i32
        %dma_start3A_133 = tpu.memref_slice %arg2[%dma_start3A_131, %dma_start3A_132] : memref<10000x128xf32, #tpu.memory_space<hbm>> -> memref<10000x128xf32, #tpu.memory_space<hbm>>
        tpu.enqueue_indirect_dma source(%dma_start3A_133 : memref<10000x128xf32, #tpu.memory_space<hbm>>) target(%arg13 : memref<128x128xf32, #tpu.memory_space<vmem>>) offsets(%dma_start3A_130 : memref<128xi32, #tpu.memory_space<vmem>>) semaphore(%arg15 : memref<!tpu.dma_semaphore, #tpu.memory_space<semaphore_mem>>)
      }
      %scan3A_38 = arith.constant 19 : i32
      %dma_wait3A = arith.constant 0 : i32
      %dma_wait3A_39 = arith.constant 0 : i32
      %dma_wait3A_40 = tpu.memref_slice %arg2[%dma_wait3A, %dma_wait3A_39] : memref<10000x128xf32, #tpu.memory_space<hbm>> -> memref<128x128xf32, #tpu.memory_space<hbm>>
      %dma_wait3A_41 = arith.constant 0 : i32
      %dma_wait3A_42 = arith.constant 0 : i32
      %dma_wait3A_43 = tpu.memref_slice %arg2[%dma_wait3A_41, %dma_wait3A_42] : memref<10000x128xf32, #tpu.memory_space<hbm>> -> memref<128x128xf32, #tpu.memory_space<hbm>>
      tpu.wait_dma2 semaphore(%arg14 : memref<!tpu.dma_semaphore, #tpu.memory_space<semaphore_mem>>) src(%dma_wait3A_43 : memref<128x128xf32, #tpu.memory_space<hbm>>) dst(%arg12 : memref<128x128xf32, #tpu.memory_space<vmem>>)
      %run_scoped3A = arith.constant 38 : i32
      "tpu.region"() ({
        %run_scoped3A_71 = tpu.sem_alloc : memref<!tpu.dma_semaphore, #tpu.memory_space<semaphore_mem>>
        %dma_start3A_72 = arith.constant 0 : i32
        %dma_start3A_73 = tpu.memref_slice %arg11[%run_scoped3A, %dma_start3A_72] : memref<40x128xi32, #tpu.memory_space<vmem>> -> memref<1x128xi32, #tpu.memory_space<vmem>>
        %dma_start3A_74 = tpu.memref_squeeze %dma_start3A_73 : memref<1x128xi32, #tpu.memory_space<vmem>> -> memref<128xi32, #tpu.memory_space<vmem>>
        %dma_start3A_75 = arith.constant 0 : i32
        %dma_start3A_76 = arith.constant 0 : i32
        %dma_start3A_77 = tpu.memref_slice %arg16[%dma_start3A_75, %dma_start3A_76] : memref<10240x128xf32, #tpu.memory_space<vmem_shared>> -> memref<10240x128xf32, #tpu.memory_space<vmem_shared>>
        tpu.enqueue_indirect_dma source(%arg12 : memref<128x128xf32, #tpu.memory_space<vmem>>) target(%dma_start3A_77 : memref<10240x128xf32, #tpu.memory_space<vmem_shared>>) offsets(%dma_start3A_74 : memref<128xi32, #tpu.memory_space<vmem>>) semaphore(%run_scoped3A_71 : memref<!tpu.dma_semaphore, #tpu.memory_space<semaphore_mem>>) {add = true}
        %dma_wait3A_78 = arith.constant 0 : i32
        %dma_wait3A_79 = tpu.memref_slice %arg11[%run_scoped3A, %dma_wait3A_78] : memref<40x128xi32, #tpu.memory_space<vmem>> -> memref<1x128xi32, #tpu.memory_space<vmem>>
        %dma_wait3A_80 = tpu.memref_squeeze %dma_wait3A_79 : memref<1x128xi32, #tpu.memory_space<vmem>> -> memref<128xi32, #tpu.memory_space<vmem>>
        %dma_wait3A_81 = arith.constant 0 : i32
        %dma_wait3A_82 = arith.constant 0 : i32
        %dma_wait3A_83 = tpu.memref_slice %arg16[%dma_wait3A_81, %dma_wait3A_82] : memref<10240x128xf32, #tpu.memory_space<vmem_shared>> -> memref<10240x128xf32, #tpu.memory_space<vmem_shared>>
        tpu.wait_indirect_dma semaphore(%run_scoped3A_71 : memref<!tpu.dma_semaphore, #tpu.memory_space<semaphore_mem>>) src(%arg12 : memref<128x128xf32, #tpu.memory_space<vmem>>) dst(%dma_wait3A_83 : memref<10240x128xf32, #tpu.memory_space<vmem_shared>>)
        tpu.yield
      }) : () -> ()
      %dma_wait3A_44 = arith.constant 0 : i32
      %dma_wait3A_45 = arith.constant 0 : i32
      %dma_wait3A_46 = tpu.memref_slice %arg2[%dma_wait3A_44, %dma_wait3A_45] : memref<10000x128xf32, #tpu.memory_space<hbm>> -> memref<1x128xf32, #tpu.memory_space<hbm>>
      %dma_wait3A_47 = tpu.memref_squeeze %dma_wait3A_46 : memref<1x128xf32, #tpu.memory_space<hbm>> -> memref<128xf32, #tpu.memory_space<hbm>>
      %dma_wait3A_48 = arith.constant 0 : i32
      %dma_wait3A_49 = tpu.memref_slice %arg2[%dma_wait3A_44, %dma_wait3A_48] : memref<10000x128xf32, #tpu.memory_space<hbm>> -> memref<1x128xf32, #tpu.memory_space<hbm>>
      %dma_wait3A_50 = tpu.memref_squeeze %dma_wait3A_49 : memref<1x128xf32, #tpu.memory_space<hbm>> -> memref<128xf32, #tpu.memory_space<hbm>>
      tpu.wait_dma2 semaphore(%arg18 : memref<!tpu.dma_semaphore, #tpu.memory_space<semaphore_mem>>) src(%dma_wait3A_50 : memref<128xf32, #tpu.memory_space<hbm>>) dst(%arg17 : memref<128xf32, #tpu.memory_space<vmem>>)
      %dma_start3A_51 = arith.constant 39 : i32
      %dma_start3A_52 = arith.constant 0 : i32
      %dma_start3A_53 = tpu.memref_slice %arg11[%dma_start3A_51, %dma_start3A_52] : memref<40x128xi32, #tpu.memory_space<vmem>> -> memref<1x128xi32, #tpu.memory_space<vmem>>
      %dma_start3A_54 = tpu.memref_squeeze %dma_start3A_53 : memref<1x128xi32, #tpu.memory_space<vmem>> -> memref<128xi32, #tpu.memory_space<vmem>>
      %dma_start3A_55 = arith.constant 0 : i32
      %dma_start3A_56 = tpu.memref_slice %arg19[%dma_start3A_55] : memref<10240xf32, #tpu.memory_space<vmem_shared>> -> memref<10240xf32, #tpu.memory_space<vmem_shared>>
      tpu.enqueue_indirect_dma source(%arg17 : memref<128xf32, #tpu.memory_space<vmem>>) target(%dma_start3A_56 : memref<10240xf32, #tpu.memory_space<vmem_shared>>) offsets(%dma_start3A_54 : memref<128xi32, #tpu.memory_space<vmem>>) semaphore(%arg18 : memref<!tpu.dma_semaphore, #tpu.memory_space<semaphore_mem>>) {add = true}
      %dma_wait3A_57 = arith.constant 0 : i32
      %dma_wait3A_58 = arith.constant 0 : i32
      %dma_wait3A_59 = tpu.memref_slice %arg2[%dma_wait3A_57, %dma_wait3A_58] : memref<10000x128xf32, #tpu.memory_space<hbm>> -> memref<128x128xf32, #tpu.memory_space<hbm>>
      %dma_wait3A_60 = arith.constant 0 : i32
      %dma_wait3A_61 = arith.constant 0 : i32
      %dma_wait3A_62 = tpu.memref_slice %arg2[%dma_wait3A_60, %dma_wait3A_61] : memref<10000x128xf32, #tpu.memory_space<hbm>> -> memref<128x128xf32, #tpu.memory_space<hbm>>
      tpu.wait_dma2 semaphore(%arg15 : memref<!tpu.dma_semaphore, #tpu.memory_space<semaphore_mem>>) src(%dma_wait3A_62 : memref<128x128xf32, #tpu.memory_space<hbm>>) dst(%arg13 : memref<128x128xf32, #tpu.memory_space<vmem>>)
      %run_scoped3A_63 = arith.constant 39 : i32
      "tpu.region"() ({
        %run_scoped3A_71 = tpu.sem_alloc : memref<!tpu.dma_semaphore, #tpu.memory_space<semaphore_mem>>
        %dma_start3A_72 = arith.constant 0 : i32
        %dma_start3A_73 = tpu.memref_slice %arg11[%run_scoped3A_63, %dma_start3A_72] : memref<40x128xi32, #tpu.memory_space<vmem>> -> memref<1x128xi32, #tpu.memory_space<vmem>>
        %dma_start3A_74 = tpu.memref_squeeze %dma_start3A_73 : memref<1x128xi32, #tpu.memory_space<vmem>> -> memref<128xi32, #tpu.memory_space<vmem>>
        %dma_start3A_75 = arith.constant 0 : i32
        %dma_start3A_76 = arith.constant 0 : i32
        %dma_start3A_77 = tpu.memref_slice %arg16[%dma_start3A_75, %dma_start3A_76] : memref<10240x128xf32, #tpu.memory_space<vmem_shared>> -> memref<10240x128xf32, #tpu.memory_space<vmem_shared>>
        tpu.enqueue_indirect_dma source(%arg13 : memref<128x128xf32, #tpu.memory_space<vmem>>) target(%dma_start3A_77 : memref<10240x128xf32, #tpu.memory_space<vmem_shared>>) offsets(%dma_start3A_74 : memref<128xi32, #tpu.memory_space<vmem>>) semaphore(%run_scoped3A_71 : memref<!tpu.dma_semaphore, #tpu.memory_space<semaphore_mem>>) {add = true}
        %dma_wait3A_78 = arith.constant 0 : i32
        %dma_wait3A_79 = tpu.memref_slice %arg11[%run_scoped3A_63, %dma_wait3A_78] : memref<40x128xi32, #tpu.memory_space<vmem>> -> memref<1x128xi32, #tpu.memory_space<vmem>>
        %dma_wait3A_80 = tpu.memref_squeeze %dma_wait3A_79 : memref<1x128xi32, #tpu.memory_space<vmem>> -> memref<128xi32, #tpu.memory_space<vmem>>
        %dma_wait3A_81 = arith.constant 0 : i32
        %dma_wait3A_82 = arith.constant 0 : i32
        %dma_wait3A_83 = tpu.memref_slice %arg16[%dma_wait3A_81, %dma_wait3A_82] : memref<10240x128xf32, #tpu.memory_space<vmem_shared>> -> memref<10240x128xf32, #tpu.memory_space<vmem_shared>>
        tpu.wait_indirect_dma semaphore(%run_scoped3A_71 : memref<!tpu.dma_semaphore, #tpu.memory_space<semaphore_mem>>) src(%arg13 : memref<128x128xf32, #tpu.memory_space<vmem>>) dst(%dma_wait3A_83 : memref<10240x128xf32, #tpu.memory_space<vmem_shared>>)
        tpu.yield
      }) : () -> ()
      %dma_wait3A_64 = arith.constant 0 : i32
      %dma_wait3A_65 = arith.constant 0 : i32
      %dma_wait3A_66 = tpu.memref_slice %arg2[%dma_wait3A_64, %dma_wait3A_65] : memref<10000x128xf32, #tpu.memory_space<hbm>> -> memref<1x128xf32, #tpu.memory_space<hbm>>
      %dma_wait3A_67 = tpu.memref_squeeze %dma_wait3A_66 : memref<1x128xf32, #tpu.memory_space<hbm>> -> memref<128xf32, #tpu.memory_space<hbm>>
      %dma_wait3A_68 = arith.constant 0 : i32
      %dma_wait3A_69 = tpu.memref_slice %arg2[%dma_wait3A_64, %dma_wait3A_68] : memref<10000x128xf32, #tpu.memory_space<hbm>> -> memref<1x128xf32, #tpu.memory_space<hbm>>
      %dma_wait3A_70 = tpu.memref_squeeze %dma_wait3A_69 : memref<1x128xf32, #tpu.memory_space<hbm>> -> memref<128xf32, #tpu.memory_space<hbm>>
      tpu.wait_dma2 semaphore(%arg18 : memref<!tpu.dma_semaphore, #tpu.memory_space<semaphore_mem>>) src(%dma_wait3A_70 : memref<128xf32, #tpu.memory_space<hbm>>) dst(%arg17 : memref<128xf32, #tpu.memory_space<vmem>>)
    }
    %scan3A_7 = arith.constant 2 : i32
    %barrier3A_8 = arith.constant 0 : index
    tpu.barrier barrier_id(%barrier3A_8)
    "tpu.region"() ({
      %run_scoped3A = tpu.sem_alloc : memref<!tpu.dma_semaphore, #tpu.memory_space<semaphore_mem>>
      %dma_start3A = arith.constant 0 : i32
      %dma_start3A_9 = tpu.memref_slice %arg8[%arg0, %mul3A_2, %dma_start3A] : memref<2x10240x128xf32, #tpu.memory_space<hbm>> -> memref<1x640x128xf32, #tpu.memory_space<hbm>>
      %dma_start3A_10 = tpu.memref_squeeze %dma_start3A_9 : memref<1x640x128xf32, #tpu.memory_space<hbm>> -> memref<640x128xf32, #tpu.memory_space<hbm>>
      %dma_start3A_11 = arith.constant 0 : i32
      %dma_start3A_12 = tpu.memref_slice %arg16[%mul3A_2, %dma_start3A_11] : memref<10240x128xf32, #tpu.memory_space<vmem_shared>> -> memref<640x128xf32, #tpu.memory_space<vmem_shared>>
      tpu.enqueue_dma source(%dma_start3A_12 : memref<640x128xf32, #tpu.memory_space<vmem_shared>>) target(%dma_start3A_10 : memref<640x128xf32, #tpu.memory_space<hbm>>) target_semaphore(%run_scoped3A : memref<!tpu.dma_semaphore, #tpu.memory_space<semaphore_mem>>)
      %dma_wait3A = arith.constant 0 : i32
      %dma_wait3A_13 = tpu.memref_slice %arg8[%arg0, %mul3A_2, %dma_wait3A] : memref<2x10240x128xf32, #tpu.memory_space<hbm>> -> memref<1x640x128xf32, #tpu.memory_space<hbm>>
      %dma_wait3A_14 = tpu.memref_squeeze %dma_wait3A_13 : memref<1x640x128xf32, #tpu.memory_space<hbm>> -> memref<640x128xf32, #tpu.memory_space<hbm>>
      %dma_wait3A_15 = arith.constant 0 : i32
      %dma_wait3A_16 = tpu.memref_slice %arg16[%mul3A_2, %dma_wait3A_15] : memref<10240x128xf32, #tpu.memory_space<vmem_shared>> -> memref<640x128xf32, #tpu.memory_space<vmem_shared>>
      tpu.wait_dma2 semaphore(%run_scoped3A : memref<!tpu.dma_semaphore, #tpu.memory_space<semaphore_mem>>) src(%dma_wait3A_16 : memref<640x128xf32, #tpu.memory_space<vmem_shared>>) dst(%dma_wait3A_14 : memref<640x128xf32, #tpu.memory_space<hbm>>)
      tpu.yield
    }) : () -> ()
    "tpu.region"() ({
      %run_scoped3A = tpu.sem_alloc : memref<!tpu.dma_semaphore, #tpu.memory_space<semaphore_mem>>
      %dma_start3A = tpu.memref_slice %arg9[%arg0, %mul3A_2] : memref<2x10240xf32, #tpu.memory_space<hbm>> -> memref<1x640xf32, #tpu.memory_space<hbm>>
      %dma_start3A_9 = tpu.memref_squeeze %dma_start3A : memref<1x640xf32, #tpu.memory_space<hbm>> -> memref<640xf32, #tpu.memory_space<hbm>>
      %dma_start3A_10 = tpu.memref_slice %arg19[%mul3A_2] : memref<10240xf32, #tpu.memory_space<vmem_shared>> -> memref<640xf32, #tpu.memory_space<vmem_shared>>
      tpu.enqueue_dma source(%dma_start3A_10 : memref<640xf32, #tpu.memory_space<vmem_shared>>) target(%dma_start3A_9 : memref<640xf32, #tpu.memory_space<hbm>>) target_semaphore(%run_scoped3A : memref<!tpu.dma_semaphore, #tpu.memory_space<semaphore_mem>>)
      %dma_wait3A = tpu.memref_slice %arg9[%arg0, %mul3A_2] : memref<2x10240xf32, #tpu.memory_space<hbm>> -> memref<1x640xf32, #tpu.memory_space<hbm>>
      %dma_wait3A_11 = tpu.memref_squeeze %dma_wait3A : memref<1x640xf32, #tpu.memory_space<hbm>> -> memref<640xf32, #tpu.memory_space<hbm>>
      %dma_wait3A_12 = tpu.memref_slice %arg19[%mul3A_2] : memref<10240xf32, #tpu.memory_space<vmem_shared>> -> memref<640xf32, #tpu.memory_space<vmem_shared>>
      tpu.wait_dma2 semaphore(%run_scoped3A : memref<!tpu.dma_semaphore, #tpu.memory_space<semaphore_mem>>) src(%dma_wait3A_12 : memref<640xf32, #tpu.memory_space<vmem_shared>>) dst(%dma_wait3A_11 : memref<640xf32, #tpu.memory_space<hbm>>)
      tpu.yield
    }) : () -> ()
    return
  }
}

#map = affine_map<(d0, d1) -> (0, 0)>
#map1 = affine_map<(d0, d1) -> (0, 0, 0)>
module attributes {stable_mosaic.version = 14 : i64} {
  func.func @segsum(%arg0: i32, %arg1: i32, %arg2: memref<10000x128xf32, #tpu.memory_space<hbm>>, %arg3: memref<32x80x128xi32, #tpu.memory_space<hbm>>, %arg4: memref<32x80x128xi32, #tpu.memory_space<hbm>>, %arg5: memref<640x128xf32, #tpu.memory_space<hbm>>, %arg6: memref<2x10240x128xf32, #tpu.memory_space<hbm>>, %arg7: memref<40x128xi32, #tpu.memory_space<vmem>>, %arg8: memref<40x128xi32, #tpu.memory_space<vmem>>, %arg9: memref<128x128xf32, #tpu.memory_space<vmem>>, %arg10: memref<128x128xf32, #tpu.memory_space<vmem>>, %arg11: memref<!tpu.dma_semaphore, #tpu.memory_space<semaphore_mem>>, %arg12: memref<!tpu.dma_semaphore, #tpu.memory_space<semaphore_mem>>, %arg13: memref<10240x128xf32, #tpu.memory_space<vmem_shared>>) attributes {dimension_semantics = [#tpu.dimension_semantics<core_parallel>, #tpu.dimension_semantics<subcore_parallel>], iteration_bounds = array<i64: 2, 16>, scalar_prefetch = 0 : i64, scratch_operands = 7 : i64, tpu.core_type = #tpu.core_type<sc_vector_subcore>, window_params = [{transform_indices = #map}, {transform_indices = #map1}, {transform_indices = #map1}, {transform_indices = #map}, {transform_indices = #map1}]} {
    %mul3A = arith.constant 2 : i32
    %mul3A_0 = arith.muli %arg1, %mul3A : i32
    %add3A = arith.addi %mul3A_0, %arg0 : i32
    %mul3A_1 = arith.constant 640 : i32
    %mul3A_2 = arith.muli %arg1, %mul3A_1 : i32
    "tpu.region"() ({
      %run_scoped3A = tpu.sem_alloc : memref<!tpu.dma_semaphore, #tpu.memory_space<semaphore_mem>>
      %dma_start3A = arith.constant 0 : i32
      %dma_start3A_9 = tpu.memref_slice %arg13[%mul3A_2, %dma_start3A] : memref<10240x128xf32, #tpu.memory_space<vmem_shared>> -> memref<640x128xf32, #tpu.memory_space<vmem_shared>>
      tpu.enqueue_dma source(%arg5 : memref<640x128xf32, #tpu.memory_space<hbm>>) target(%dma_start3A_9 : memref<640x128xf32, #tpu.memory_space<vmem_shared>>) target_semaphore(%run_scoped3A : memref<!tpu.dma_semaphore, #tpu.memory_space<semaphore_mem>>)
      %dma_wait3A = arith.constant 0 : i32
      %dma_wait3A_10 = tpu.memref_slice %arg13[%mul3A_2, %dma_wait3A] : memref<10240x128xf32, #tpu.memory_space<vmem_shared>> -> memref<640x128xf32, #tpu.memory_space<vmem_shared>>
      tpu.wait_dma2 semaphore(%run_scoped3A : memref<!tpu.dma_semaphore, #tpu.memory_space<semaphore_mem>>) src(%arg5 : memref<640x128xf32, #tpu.memory_space<hbm>>) dst(%dma_wait3A_10 : memref<640x128xf32, #tpu.memory_space<vmem_shared>>)
      tpu.yield
    }) : () -> ()
    %barrier3A = arith.constant 0 : index
    tpu.barrier barrier_id(%barrier3A)
    %scan3A = arith.constant 0 : i32
    %scan3A_3 = arith.constant 0 : i32
    %scan3A_4 = arith.constant 2 : i32
    %scan3A_5 = arith.addi %scan3A_3, %scan3A_4 : i32
    %scan3A_6 = arith.constant 1 : i32
    scf.for %scan3A_9 = %scan3A_3 to %scan3A_5 step %scan3A_6  : i32 {
      %mul3A_10 = arith.constant 40 : i32
      %mul3A_11 = arith.muli %scan3A_9, %mul3A_10 : i32
      "tpu.region"() ({
        %run_scoped3A_45 = tpu.sem_alloc : memref<!tpu.dma_semaphore, #tpu.memory_space<semaphore_mem>>
        %dma_start3A_46 = arith.constant 0 : i32
        %dma_start3A_47 = tpu.memref_slice %arg3[%add3A, %mul3A_11, %dma_start3A_46] : memref<32x80x128xi32, #tpu.memory_space<hbm>> -> memref<1x40x128xi32, #tpu.memory_space<hbm>>
        %dma_start3A_48 = tpu.memref_squeeze %dma_start3A_47 : memref<1x40x128xi32, #tpu.memory_space<hbm>> -> memref<40x128xi32, #tpu.memory_space<hbm>>
        %dma_start3A_49 = arith.constant 0 : i32
        %dma_start3A_50 = tpu.memref_slice %arg3[%add3A, %mul3A_11, %dma_start3A_49] : memref<32x80x128xi32, #tpu.memory_space<hbm>> -> memref<1x40x128xi32, #tpu.memory_space<hbm>>
        %dma_start3A_51 = tpu.memref_squeeze %dma_start3A_50 : memref<1x40x128xi32, #tpu.memory_space<hbm>> -> memref<40x128xi32, #tpu.memory_space<hbm>>
        tpu.enqueue_dma source(%dma_start3A_51 : memref<40x128xi32, #tpu.memory_space<hbm>>) target(%arg7 : memref<40x128xi32, #tpu.memory_space<vmem>>) target_semaphore(%run_scoped3A_45 : memref<!tpu.dma_semaphore, #tpu.memory_space<semaphore_mem>>)
        %dma_wait3A_52 = arith.constant 0 : i32
        %dma_wait3A_53 = tpu.memref_slice %arg3[%add3A, %mul3A_11, %dma_wait3A_52] : memref<32x80x128xi32, #tpu.memory_space<hbm>> -> memref<1x40x128xi32, #tpu.memory_space<hbm>>
        %dma_wait3A_54 = tpu.memref_squeeze %dma_wait3A_53 : memref<1x40x128xi32, #tpu.memory_space<hbm>> -> memref<40x128xi32, #tpu.memory_space<hbm>>
        %dma_wait3A_55 = arith.constant 0 : i32
        %dma_wait3A_56 = tpu.memref_slice %arg3[%add3A, %mul3A_11, %dma_wait3A_55] : memref<32x80x128xi32, #tpu.memory_space<hbm>> -> memref<1x40x128xi32, #tpu.memory_space<hbm>>
        %dma_wait3A_57 = tpu.memref_squeeze %dma_wait3A_56 : memref<1x40x128xi32, #tpu.memory_space<hbm>> -> memref<40x128xi32, #tpu.memory_space<hbm>>
        tpu.wait_dma2 semaphore(%run_scoped3A_45 : memref<!tpu.dma_semaphore, #tpu.memory_space<semaphore_mem>>) src(%dma_wait3A_57 : memref<40x128xi32, #tpu.memory_space<hbm>>) dst(%arg7 : memref<40x128xi32, #tpu.memory_space<vmem>>)
        tpu.yield
      }) : () -> ()
      %mul3A_12 = arith.constant 40 : i32
      %mul3A_13 = arith.muli %scan3A_9, %mul3A_12 : i32
      "tpu.region"() ({
        %run_scoped3A_45 = tpu.sem_alloc : memref<!tpu.dma_semaphore, #tpu.memory_space<semaphore_mem>>
        %dma_start3A_46 = arith.constant 0 : i32
        %dma_start3A_47 = tpu.memref_slice %arg4[%add3A, %mul3A_13, %dma_start3A_46] : memref<32x80x128xi32, #tpu.memory_space<hbm>> -> memref<1x40x128xi32, #tpu.memory_space<hbm>>
        %dma_start3A_48 = tpu.memref_squeeze %dma_start3A_47 : memref<1x40x128xi32, #tpu.memory_space<hbm>> -> memref<40x128xi32, #tpu.memory_space<hbm>>
        %dma_start3A_49 = arith.constant 0 : i32
        %dma_start3A_50 = tpu.memref_slice %arg4[%add3A, %mul3A_13, %dma_start3A_49] : memref<32x80x128xi32, #tpu.memory_space<hbm>> -> memref<1x40x128xi32, #tpu.memory_space<hbm>>
        %dma_start3A_51 = tpu.memref_squeeze %dma_start3A_50 : memref<1x40x128xi32, #tpu.memory_space<hbm>> -> memref<40x128xi32, #tpu.memory_space<hbm>>
        tpu.enqueue_dma source(%dma_start3A_51 : memref<40x128xi32, #tpu.memory_space<hbm>>) target(%arg8 : memref<40x128xi32, #tpu.memory_space<vmem>>) target_semaphore(%run_scoped3A_45 : memref<!tpu.dma_semaphore, #tpu.memory_space<semaphore_mem>>)
        %dma_wait3A_52 = arith.constant 0 : i32
        %dma_wait3A_53 = tpu.memref_slice %arg4[%add3A, %mul3A_13, %dma_wait3A_52] : memref<32x80x128xi32, #tpu.memory_space<hbm>> -> memref<1x40x128xi32, #tpu.memory_space<hbm>>
        %dma_wait3A_54 = tpu.memref_squeeze %dma_wait3A_53 : memref<1x40x128xi32, #tpu.memory_space<hbm>> -> memref<40x128xi32, #tpu.memory_space<hbm>>
        %dma_wait3A_55 = arith.constant 0 : i32
        %dma_wait3A_56 = tpu.memref_slice %arg4[%add3A, %mul3A_13, %dma_wait3A_55] : memref<32x80x128xi32, #tpu.memory_space<hbm>> -> memref<1x40x128xi32, #tpu.memory_space<hbm>>
        %dma_wait3A_57 = tpu.memref_squeeze %dma_wait3A_56 : memref<1x40x128xi32, #tpu.memory_space<hbm>> -> memref<40x128xi32, #tpu.memory_space<hbm>>
        tpu.wait_dma2 semaphore(%run_scoped3A_45 : memref<!tpu.dma_semaphore, #tpu.memory_space<semaphore_mem>>) src(%dma_wait3A_57 : memref<40x128xi32, #tpu.memory_space<hbm>>) dst(%arg8 : memref<40x128xi32, #tpu.memory_space<vmem>>)
        tpu.yield
      }) : () -> ()
      %dma_start3A = arith.constant 0 : i32
      %dma_start3A_14 = arith.constant 0 : i32
      %dma_start3A_15 = tpu.memref_slice %arg7[%dma_start3A, %dma_start3A_14] : memref<40x128xi32, #tpu.memory_space<vmem>> -> memref<1x128xi32, #tpu.memory_space<vmem>>
      %dma_start3A_16 = tpu.memref_squeeze %dma_start3A_15 : memref<1x128xi32, #tpu.memory_space<vmem>> -> memref<128xi32, #tpu.memory_space<vmem>>
      %dma_start3A_17 = arith.constant 0 : i32
      %dma_start3A_18 = arith.constant 0 : i32
      %dma_start3A_19 = tpu.memref_slice %arg2[%dma_start3A_17, %dma_start3A_18] : memref<10000x128xf32, #tpu.memory_space<hbm>> -> memref<10000x128xf32, #tpu.memory_space<hbm>>
      tpu.enqueue_indirect_dma source(%dma_start3A_19 : memref<10000x128xf32, #tpu.memory_space<hbm>>) target(%arg9 : memref<128x128xf32, #tpu.memory_space<vmem>>) offsets(%dma_start3A_16 : memref<128xi32, #tpu.memory_space<vmem>>) semaphore(%arg11 : memref<!tpu.dma_semaphore, #tpu.memory_space<semaphore_mem>>)
      %dma_start3A_20 = arith.constant 1 : i32
      %dma_start3A_21 = arith.constant 0 : i32
      %dma_start3A_22 = tpu.memref_slice %arg7[%dma_start3A_20, %dma_start3A_21] : memref<40x128xi32, #tpu.memory_space<vmem>> -> memref<1x128xi32, #tpu.memory_space<vmem>>
      %dma_start3A_23 = tpu.memref_squeeze %dma_start3A_22 : memref<1x128xi32, #tpu.memory_space<vmem>> -> memref<128xi32, #tpu.memory_space<vmem>>
      %dma_start3A_24 = arith.constant 0 : i32
      %dma_start3A_25 = arith.constant 0 : i32
      %dma_start3A_26 = tpu.memref_slice %arg2[%dma_start3A_24, %dma_start3A_25] : memref<10000x128xf32, #tpu.memory_space<hbm>> -> memref<10000x128xf32, #tpu.memory_space<hbm>>
      tpu.enqueue_indirect_dma source(%dma_start3A_26 : memref<10000x128xf32, #tpu.memory_space<hbm>>) target(%arg10 : memref<128x128xf32, #tpu.memory_space<vmem>>) offsets(%dma_start3A_23 : memref<128xi32, #tpu.memory_space<vmem>>) semaphore(%arg12 : memref<!tpu.dma_semaphore, #tpu.memory_space<semaphore_mem>>)
      %scan3A_27 = arith.constant 0 : i32
      %scan3A_28 = arith.constant 0 : i32
      %scan3A_29 = arith.constant 19 : i32
      %scan3A_30 = arith.addi %scan3A_28, %scan3A_29 : i32
      %scan3A_31 = arith.constant 1 : i32
      scf.for %scan3A_45 = %scan3A_28 to %scan3A_30 step %scan3A_31  : i32 {
        %mul3A_46 = arith.constant 2 : i32
        %mul3A_47 = arith.muli %mul3A_46, %scan3A_45 : i32
        %add3A_48 = arith.constant 0 : i32
        %add3A_49 = arith.addi %mul3A_47, %add3A_48 : i32
        %dma_wait3A_50 = arith.constant 0 : i32
        %dma_wait3A_51 = arith.constant 0 : i32
        %dma_wait3A_52 = tpu.memref_slice %arg2[%dma_wait3A_50, %dma_wait3A_51] : memref<10000x128xf32, #tpu.memory_space<hbm>> -> memref<128x128xf32, #tpu.memory_space<hbm>>
        %dma_wait3A_53 = arith.constant 0 : i32
        %dma_wait3A_54 = arith.constant 0 : i32
        %dma_wait3A_55 = tpu.memref_slice %arg2[%dma_wait3A_53, %dma_wait3A_54] : memref<10000x128xf32, #tpu.memory_space<hbm>> -> memref<128x128xf32, #tpu.memory_space<hbm>>
        tpu.wait_dma2 semaphore(%arg11 : memref<!tpu.dma_semaphore, #tpu.memory_space<semaphore_mem>>) src(%dma_wait3A_55 : memref<128x128xf32, #tpu.memory_space<hbm>>) dst(%arg9 : memref<128x128xf32, #tpu.memory_space<vmem>>)
        "tpu.region"() ({
          %run_scoped3A_80 = tpu.sem_alloc : memref<!tpu.dma_semaphore, #tpu.memory_space<semaphore_mem>>
          %dma_start3A_81 = arith.constant 0 : i32
          %dma_start3A_82 = tpu.memref_slice %arg8[%add3A_49, %dma_start3A_81] : memref<40x128xi32, #tpu.memory_space<vmem>> -> memref<1x128xi32, #tpu.memory_space<vmem>>
          %dma_start3A_83 = tpu.memref_squeeze %dma_start3A_82 : memref<1x128xi32, #tpu.memory_space<vmem>> -> memref<128xi32, #tpu.memory_space<vmem>>
          %dma_start3A_84 = arith.constant 0 : i32
          %dma_start3A_85 = arith.constant 0 : i32
          %dma_start3A_86 = tpu.memref_slice %arg13[%dma_start3A_84, %dma_start3A_85] : memref<10240x128xf32, #tpu.memory_space<vmem_shared>> -> memref<10240x128xf32, #tpu.memory_space<vmem_shared>>
          tpu.enqueue_indirect_dma source(%arg9 : memref<128x128xf32, #tpu.memory_space<vmem>>) target(%dma_start3A_86 : memref<10240x128xf32, #tpu.memory_space<vmem_shared>>) offsets(%dma_start3A_83 : memref<128xi32, #tpu.memory_space<vmem>>) semaphore(%run_scoped3A_80 : memref<!tpu.dma_semaphore, #tpu.memory_space<semaphore_mem>>) {add = true}
          %dma_wait3A_87 = arith.constant 0 : i32
          %dma_wait3A_88 = tpu.memref_slice %arg8[%add3A_49, %dma_wait3A_87] : memref<40x128xi32, #tpu.memory_space<vmem>> -> memref<1x128xi32, #tpu.memory_space<vmem>>
          %dma_wait3A_89 = tpu.memref_squeeze %dma_wait3A_88 : memref<1x128xi32, #tpu.memory_space<vmem>> -> memref<128xi32, #tpu.memory_space<vmem>>
          %dma_wait3A_90 = arith.constant 0 : i32
          %dma_wait3A_91 = arith.constant 0 : i32
          %dma_wait3A_92 = tpu.memref_slice %arg13[%dma_wait3A_90, %dma_wait3A_91] : memref<10240x128xf32, #tpu.memory_space<vmem_shared>> -> memref<10240x128xf32, #tpu.memory_space<vmem_shared>>
          tpu.wait_indirect_dma semaphore(%run_scoped3A_80 : memref<!tpu.dma_semaphore, #tpu.memory_space<semaphore_mem>>) src(%arg9 : memref<128x128xf32, #tpu.memory_space<vmem>>) dst(%dma_wait3A_92 : memref<10240x128xf32, #tpu.memory_space<vmem_shared>>)
          tpu.yield
        }) : () -> ()
        %add3A_56 = arith.constant 2 : i32
        %add3A_57 = arith.addi %add3A_49, %add3A_56 : i32
        %dma_start3A_58 = arith.constant 0 : i32
        %dma_start3A_59 = tpu.memref_slice %arg7[%add3A_57, %dma_start3A_58] : memref<40x128xi32, #tpu.memory_space<vmem>> -> memref<1x128xi32, #tpu.memory_space<vmem>>
        %dma_start3A_60 = tpu.memref_squeeze %dma_start3A_59 : memref<1x128xi32, #tpu.memory_space<vmem>> -> memref<128xi32, #tpu.memory_space<vmem>>
        %dma_start3A_61 = arith.constant 0 : i32
        %dma_start3A_62 = arith.constant 0 : i32
        %dma_start3A_63 = tpu.memref_slice %arg2[%dma_start3A_61, %dma_start3A_62] : memref<10000x128xf32, #tpu.memory_space<hbm>> -> memref<10000x128xf32, #tpu.memory_space<hbm>>
        tpu.enqueue_indirect_dma source(%dma_start3A_63 : memref<10000x128xf32, #tpu.memory_space<hbm>>) target(%arg9 : memref<128x128xf32, #tpu.memory_space<vmem>>) offsets(%dma_start3A_60 : memref<128xi32, #tpu.memory_space<vmem>>) semaphore(%arg11 : memref<!tpu.dma_semaphore, #tpu.memory_space<semaphore_mem>>)
        %add3A_64 = arith.constant 1 : i32
        %add3A_65 = arith.addi %mul3A_47, %add3A_64 : i32
        %dma_wait3A_66 = arith.constant 0 : i32
        %dma_wait3A_67 = arith.constant 0 : i32
        %dma_wait3A_68 = tpu.memref_slice %arg2[%dma_wait3A_66, %dma_wait3A_67] : memref<10000x128xf32, #tpu.memory_space<hbm>> -> memref<128x128xf32, #tpu.memory_space<hbm>>
        %dma_wait3A_69 = arith.constant 0 : i32
        %dma_wait3A_70 = arith.constant 0 : i32
        %dma_wait3A_71 = tpu.memref_slice %arg2[%dma_wait3A_69, %dma_wait3A_70] : memref<10000x128xf32, #tpu.memory_space<hbm>> -> memref<128x128xf32, #tpu.memory_space<hbm>>
        tpu.wait_dma2 semaphore(%arg12 : memref<!tpu.dma_semaphore, #tpu.memory_space<semaphore_mem>>) src(%dma_wait3A_71 : memref<128x128xf32, #tpu.memory_space<hbm>>) dst(%arg10 : memref<128x128xf32, #tpu.memory_space<vmem>>)
        "tpu.region"() ({
          %run_scoped3A_80 = tpu.sem_alloc : memref<!tpu.dma_semaphore, #tpu.memory_space<semaphore_mem>>
          %dma_start3A_81 = arith.constant 0 : i32
          %dma_start3A_82 = tpu.memref_slice %arg8[%add3A_65, %dma_start3A_81] : memref<40x128xi32, #tpu.memory_space<vmem>> -> memref<1x128xi32, #tpu.memory_space<vmem>>
          %dma_start3A_83 = tpu.memref_squeeze %dma_start3A_82 : memref<1x128xi32, #tpu.memory_space<vmem>> -> memref<128xi32, #tpu.memory_space<vmem>>
          %dma_start3A_84 = arith.constant 0 : i32
          %dma_start3A_85 = arith.constant 0 : i32
          %dma_start3A_86 = tpu.memref_slice %arg13[%dma_start3A_84, %dma_start3A_85] : memref<10240x128xf32, #tpu.memory_space<vmem_shared>> -> memref<10240x128xf32, #tpu.memory_space<vmem_shared>>
          tpu.enqueue_indirect_dma source(%arg10 : memref<128x128xf32, #tpu.memory_space<vmem>>) target(%dma_start3A_86 : memref<10240x128xf32, #tpu.memory_space<vmem_shared>>) offsets(%dma_start3A_83 : memref<128xi32, #tpu.memory_space<vmem>>) semaphore(%run_scoped3A_80 : memref<!tpu.dma_semaphore, #tpu.memory_space<semaphore_mem>>) {add = true}
          %dma_wait3A_87 = arith.constant 0 : i32
          %dma_wait3A_88 = tpu.memref_slice %arg8[%add3A_65, %dma_wait3A_87] : memref<40x128xi32, #tpu.memory_space<vmem>> -> memref<1x128xi32, #tpu.memory_space<vmem>>
          %dma_wait3A_89 = tpu.memref_squeeze %dma_wait3A_88 : memref<1x128xi32, #tpu.memory_space<vmem>> -> memref<128xi32, #tpu.memory_space<vmem>>
          %dma_wait3A_90 = arith.constant 0 : i32
          %dma_wait3A_91 = arith.constant 0 : i32
          %dma_wait3A_92 = tpu.memref_slice %arg13[%dma_wait3A_90, %dma_wait3A_91] : memref<10240x128xf32, #tpu.memory_space<vmem_shared>> -> memref<10240x128xf32, #tpu.memory_space<vmem_shared>>
          tpu.wait_indirect_dma semaphore(%run_scoped3A_80 : memref<!tpu.dma_semaphore, #tpu.memory_space<semaphore_mem>>) src(%arg10 : memref<128x128xf32, #tpu.memory_space<vmem>>) dst(%dma_wait3A_92 : memref<10240x128xf32, #tpu.memory_space<vmem_shared>>)
          tpu.yield
        }) : () -> ()
        %add3A_72 = arith.constant 2 : i32
        %add3A_73 = arith.addi %add3A_65, %add3A_72 : i32
        %dma_start3A_74 = arith.constant 0 : i32
        %dma_start3A_75 = tpu.memref_slice %arg7[%add3A_73, %dma_start3A_74] : memref<40x128xi32, #tpu.memory_space<vmem>> -> memref<1x128xi32, #tpu.memory_space<vmem>>
        %dma_start3A_76 = tpu.memref_squeeze %dma_start3A_75 : memref<1x128xi32, #tpu.memory_space<vmem>> -> memref<128xi32, #tpu.memory_space<vmem>>
        %dma_start3A_77 = arith.constant 0 : i32
        %dma_start3A_78 = arith.constant 0 : i32
        %dma_start3A_79 = tpu.memref_slice %arg2[%dma_start3A_77, %dma_start3A_78] : memref<10000x128xf32, #tpu.memory_space<hbm>> -> memref<10000x128xf32, #tpu.memory_space<hbm>>
        tpu.enqueue_indirect_dma source(%dma_start3A_79 : memref<10000x128xf32, #tpu.memory_space<hbm>>) target(%arg10 : memref<128x128xf32, #tpu.memory_space<vmem>>) offsets(%dma_start3A_76 : memref<128xi32, #tpu.memory_space<vmem>>) semaphore(%arg12 : memref<!tpu.dma_semaphore, #tpu.memory_space<semaphore_mem>>)
      }
      %scan3A_32 = arith.constant 19 : i32
      %dma_wait3A = arith.constant 0 : i32
      %dma_wait3A_33 = arith.constant 0 : i32
      %dma_wait3A_34 = tpu.memref_slice %arg2[%dma_wait3A, %dma_wait3A_33] : memref<10000x128xf32, #tpu.memory_space<hbm>> -> memref<128x128xf32, #tpu.memory_space<hbm>>
      %dma_wait3A_35 = arith.constant 0 : i32
      %dma_wait3A_36 = arith.constant 0 : i32
      %dma_wait3A_37 = tpu.memref_slice %arg2[%dma_wait3A_35, %dma_wait3A_36] : memref<10000x128xf32, #tpu.memory_space<hbm>> -> memref<128x128xf32, #tpu.memory_space<hbm>>
      tpu.wait_dma2 semaphore(%arg11 : memref<!tpu.dma_semaphore, #tpu.memory_space<semaphore_mem>>) src(%dma_wait3A_37 : memref<128x128xf32, #tpu.memory_space<hbm>>) dst(%arg9 : memref<128x128xf32, #tpu.memory_space<vmem>>)
      %run_scoped3A = arith.constant 38 : i32
      "tpu.region"() ({
        %run_scoped3A_45 = tpu.sem_alloc : memref<!tpu.dma_semaphore, #tpu.memory_space<semaphore_mem>>
        %dma_start3A_46 = arith.constant 0 : i32
        %dma_start3A_47 = tpu.memref_slice %arg8[%run_scoped3A, %dma_start3A_46] : memref<40x128xi32, #tpu.memory_space<vmem>> -> memref<1x128xi32, #tpu.memory_space<vmem>>
        %dma_start3A_48 = tpu.memref_squeeze %dma_start3A_47 : memref<1x128xi32, #tpu.memory_space<vmem>> -> memref<128xi32, #tpu.memory_space<vmem>>
        %dma_start3A_49 = arith.constant 0 : i32
        %dma_start3A_50 = arith.constant 0 : i32
        %dma_start3A_51 = tpu.memref_slice %arg13[%dma_start3A_49, %dma_start3A_50] : memref<10240x128xf32, #tpu.memory_space<vmem_shared>> -> memref<10240x128xf32, #tpu.memory_space<vmem_shared>>
        tpu.enqueue_indirect_dma source(%arg9 : memref<128x128xf32, #tpu.memory_space<vmem>>) target(%dma_start3A_51 : memref<10240x128xf32, #tpu.memory_space<vmem_shared>>) offsets(%dma_start3A_48 : memref<128xi32, #tpu.memory_space<vmem>>) semaphore(%run_scoped3A_45 : memref<!tpu.dma_semaphore, #tpu.memory_space<semaphore_mem>>) {add = true}
        %dma_wait3A_52 = arith.constant 0 : i32
        %dma_wait3A_53 = tpu.memref_slice %arg8[%run_scoped3A, %dma_wait3A_52] : memref<40x128xi32, #tpu.memory_space<vmem>> -> memref<1x128xi32, #tpu.memory_space<vmem>>
        %dma_wait3A_54 = tpu.memref_squeeze %dma_wait3A_53 : memref<1x128xi32, #tpu.memory_space<vmem>> -> memref<128xi32, #tpu.memory_space<vmem>>
        %dma_wait3A_55 = arith.constant 0 : i32
        %dma_wait3A_56 = arith.constant 0 : i32
        %dma_wait3A_57 = tpu.memref_slice %arg13[%dma_wait3A_55, %dma_wait3A_56] : memref<10240x128xf32, #tpu.memory_space<vmem_shared>> -> memref<10240x128xf32, #tpu.memory_space<vmem_shared>>
        tpu.wait_indirect_dma semaphore(%run_scoped3A_45 : memref<!tpu.dma_semaphore, #tpu.memory_space<semaphore_mem>>) src(%arg9 : memref<128x128xf32, #tpu.memory_space<vmem>>) dst(%dma_wait3A_57 : memref<10240x128xf32, #tpu.memory_space<vmem_shared>>)
        tpu.yield
      }) : () -> ()
      %dma_wait3A_38 = arith.constant 0 : i32
      %dma_wait3A_39 = arith.constant 0 : i32
      %dma_wait3A_40 = tpu.memref_slice %arg2[%dma_wait3A_38, %dma_wait3A_39] : memref<10000x128xf32, #tpu.memory_space<hbm>> -> memref<128x128xf32, #tpu.memory_space<hbm>>
      %dma_wait3A_41 = arith.constant 0 : i32
      %dma_wait3A_42 = arith.constant 0 : i32
      %dma_wait3A_43 = tpu.memref_slice %arg2[%dma_wait3A_41, %dma_wait3A_42] : memref<10000x128xf32, #tpu.memory_space<hbm>> -> memref<128x128xf32, #tpu.memory_space<hbm>>
      tpu.wait_dma2 semaphore(%arg12 : memref<!tpu.dma_semaphore, #tpu.memory_space<semaphore_mem>>) src(%dma_wait3A_43 : memref<128x128xf32, #tpu.memory_space<hbm>>) dst(%arg10 : memref<128x128xf32, #tpu.memory_space<vmem>>)
      %run_scoped3A_44 = arith.constant 39 : i32
      "tpu.region"() ({
        %run_scoped3A_45 = tpu.sem_alloc : memref<!tpu.dma_semaphore, #tpu.memory_space<semaphore_mem>>
        %dma_start3A_46 = arith.constant 0 : i32
        %dma_start3A_47 = tpu.memref_slice %arg8[%run_scoped3A_44, %dma_start3A_46] : memref<40x128xi32, #tpu.memory_space<vmem>> -> memref<1x128xi32, #tpu.memory_space<vmem>>
        %dma_start3A_48 = tpu.memref_squeeze %dma_start3A_47 : memref<1x128xi32, #tpu.memory_space<vmem>> -> memref<128xi32, #tpu.memory_space<vmem>>
        %dma_start3A_49 = arith.constant 0 : i32
        %dma_start3A_50 = arith.constant 0 : i32
        %dma_start3A_51 = tpu.memref_slice %arg13[%dma_start3A_49, %dma_start3A_50] : memref<10240x128xf32, #tpu.memory_space<vmem_shared>> -> memref<10240x128xf32, #tpu.memory_space<vmem_shared>>
        tpu.enqueue_indirect_dma source(%arg10 : memref<128x128xf32, #tpu.memory_space<vmem>>) target(%dma_start3A_51 : memref<10240x128xf32, #tpu.memory_space<vmem_shared>>) offsets(%dma_start3A_48 : memref<128xi32, #tpu.memory_space<vmem>>) semaphore(%run_scoped3A_45 : memref<!tpu.dma_semaphore, #tpu.memory_space<semaphore_mem>>) {add = true}
        %dma_wait3A_52 = arith.constant 0 : i32
        %dma_wait3A_53 = tpu.memref_slice %arg8[%run_scoped3A_44, %dma_wait3A_52] : memref<40x128xi32, #tpu.memory_space<vmem>> -> memref<1x128xi32, #tpu.memory_space<vmem>>
        %dma_wait3A_54 = tpu.memref_squeeze %dma_wait3A_53 : memref<1x128xi32, #tpu.memory_space<vmem>> -> memref<128xi32, #tpu.memory_space<vmem>>
        %dma_wait3A_55 = arith.constant 0 : i32
        %dma_wait3A_56 = arith.constant 0 : i32
        %dma_wait3A_57 = tpu.memref_slice %arg13[%dma_wait3A_55, %dma_wait3A_56] : memref<10240x128xf32, #tpu.memory_space<vmem_shared>> -> memref<10240x128xf32, #tpu.memory_space<vmem_shared>>
        tpu.wait_indirect_dma semaphore(%run_scoped3A_45 : memref<!tpu.dma_semaphore, #tpu.memory_space<semaphore_mem>>) src(%arg10 : memref<128x128xf32, #tpu.memory_space<vmem>>) dst(%dma_wait3A_57 : memref<10240x128xf32, #tpu.memory_space<vmem_shared>>)
        tpu.yield
      }) : () -> ()
    }
    %scan3A_7 = arith.constant 2 : i32
    %barrier3A_8 = arith.constant 0 : index
    tpu.barrier barrier_id(%barrier3A_8)
    "tpu.region"() ({
      %run_scoped3A = tpu.sem_alloc : memref<!tpu.dma_semaphore, #tpu.memory_space<semaphore_mem>>
      %dma_start3A = arith.constant 0 : i32
      %dma_start3A_9 = tpu.memref_slice %arg6[%arg0, %mul3A_2, %dma_start3A] : memref<2x10240x128xf32, #tpu.memory_space<hbm>> -> memref<1x640x128xf32, #tpu.memory_space<hbm>>
      %dma_start3A_10 = tpu.memref_squeeze %dma_start3A_9 : memref<1x640x128xf32, #tpu.memory_space<hbm>> -> memref<640x128xf32, #tpu.memory_space<hbm>>
      %dma_start3A_11 = arith.constant 0 : i32
      %dma_start3A_12 = tpu.memref_slice %arg13[%mul3A_2, %dma_start3A_11] : memref<10240x128xf32, #tpu.memory_space<vmem_shared>> -> memref<640x128xf32, #tpu.memory_space<vmem_shared>>
      tpu.enqueue_dma source(%dma_start3A_12 : memref<640x128xf32, #tpu.memory_space<vmem_shared>>) target(%dma_start3A_10 : memref<640x128xf32, #tpu.memory_space<hbm>>) target_semaphore(%run_scoped3A : memref<!tpu.dma_semaphore, #tpu.memory_space<semaphore_mem>>)
      %dma_wait3A = arith.constant 0 : i32
      %dma_wait3A_13 = tpu.memref_slice %arg6[%arg0, %mul3A_2, %dma_wait3A] : memref<2x10240x128xf32, #tpu.memory_space<hbm>> -> memref<1x640x128xf32, #tpu.memory_space<hbm>>
      %dma_wait3A_14 = tpu.memref_squeeze %dma_wait3A_13 : memref<1x640x128xf32, #tpu.memory_space<hbm>> -> memref<640x128xf32, #tpu.memory_space<hbm>>
      %dma_wait3A_15 = arith.constant 0 : i32
      %dma_wait3A_16 = tpu.memref_slice %arg13[%mul3A_2, %dma_wait3A_15] : memref<10240x128xf32, #tpu.memory_space<vmem_shared>> -> memref<640x128xf32, #tpu.memory_space<vmem_shared>>
      tpu.wait_dma2 semaphore(%run_scoped3A : memref<!tpu.dma_semaphore, #tpu.memory_space<semaphore_mem>>) src(%dma_wait3A_16 : memref<640x128xf32, #tpu.memory_space<vmem_shared>>) dst(%dma_wait3A_14 : memref<640x128xf32, #tpu.memory_space<hbm>>)
      tpu.yield
    }) : () -> ()
    return
  }
}

module attributes {stable_mosaic.version = 14 : i64} {
  func.func @_t1_body(%arg0: i32, %arg1: memref<2x1000x128xf32, #tpu.memory_space<vmem>>, %arg2: memref<2x1000x1xf32, #tpu.memory_space<vmem>>, %arg3: memref<1000x128xf32, #tpu.memory_space<vmem>>, %arg4: memref<128x128xf32, #tpu.memory_space<vmem>>, %arg5: memref<128x128xf32, #tpu.memory_space<vmem>>, %arg6: memref<1x128xf32, #tpu.memory_space<vmem>>, %arg7: memref<1000x128xf32, #tpu.memory_space<vmem>>) attributes {dimension_semantics = [#tpu.dimension_semantics<arbitrary>], iteration_bounds = array<i64: 10>, scalar_prefetch = 0 : i64, scratch_operands = 0 : i64, tpu.core_type = #tpu.core_type<tc>, window_params = [{transform_indices = @transform_0, window_bounds = array<i64: 2, 1000, 128>}, {transform_indices = @transform_1, window_bounds = array<i64: 2, 1000, 1>}, {transform_indices = @transform_2, window_bounds = array<i64: 1000, 128>}, {pipeline_mode = #tpu.pipeline_mode<synchronous>, transform_indices = @transform_3, window_bounds = array<i64: 128, 128>}, {pipeline_mode = #tpu.pipeline_mode<synchronous>, transform_indices = @transform_4, window_bounds = array<i64: 128, 128>}, {pipeline_mode = #tpu.pipeline_mode<synchronous>, transform_indices = @transform_5, window_bounds = array<i64: 1, 128>}, {transform_indices = @transform_6, window_bounds = array<i64: 1000, 128>}]} {
    %get3A = arith.constant 0 : index
    %get3A_0 = arith.constant 0 : index
    %get3A_1 = arith.constant 0 : index
    %get3A_2 = vector.load %arg1[%get3A, %get3A_0, %get3A_1] : memref<2x1000x128xf32, #tpu.memory_space<vmem>>, vector<1x1000x128xf32>
    %get3A_3 = vector.shape_cast %get3A_2 : vector<1x1000x128xf32> to vector<1000x128xf32>
    %get3A_4 = arith.constant 1 : index
    %get3A_5 = arith.constant 0 : index
    %get3A_6 = arith.constant 0 : index
    %get3A_7 = vector.load %arg1[%get3A_4, %get3A_5, %get3A_6] : memref<2x1000x128xf32, #tpu.memory_space<vmem>>, vector<1x1000x128xf32>
    %get3A_8 = vector.shape_cast %get3A_7 : vector<1x1000x128xf32> to vector<1000x128xf32>
    %add3A = arith.addf %get3A_3, %get3A_8 : vector<1000x128xf32>
    %get3A_9 = arith.constant 0 : index
    %get3A_10 = arith.constant 0 : index
    %get3A_11 = arith.constant 0 : index
    %get3A_12 = vector.load %arg2[%get3A_9, %get3A_10, %get3A_11] : memref<2x1000x1xf32, #tpu.memory_space<vmem>>, vector<1x1000x1xf32>
    %get3A_13 = vector.shape_cast %get3A_12 : vector<1x1000x1xf32> to vector<1000x1xf32>
    %get3A_14 = arith.constant 1 : index
    %get3A_15 = arith.constant 0 : index
    %get3A_16 = arith.constant 0 : index
    %get3A_17 = vector.load %arg2[%get3A_14, %get3A_15, %get3A_16] : memref<2x1000x1xf32, #tpu.memory_space<vmem>>, vector<1x1000x1xf32>
    %get3A_18 = vector.shape_cast %get3A_17 : vector<1x1000x1xf32> to vector<1000x1xf32>
    %add3A_19 = arith.addf %get3A_13, %get3A_18 : vector<1000x1xf32>
    %max3A = arith.constant 1.000000e+00 : f32
    %max3A_20 = vector.broadcast %max3A : f32 to vector<1000x1xf32>
    %max3A_21 = arith.maximumf %add3A_19, %max3A_20 : vector<1000x1xf32>
    %div3A = vector.broadcast %max3A_21 : vector<1000x1xf32> to vector<1000x128xf32>
    %div3A_22 = arith.divf %add3A, %div3A : vector<1000x128xf32>
    %get3A_23 = arith.constant 0 : index
    %get3A_24 = arith.constant 0 : index
    %get3A_25 = vector.load %arg4[%get3A_23, %get3A_24] : memref<128x128xf32, #tpu.memory_space<vmem>>, vector<128x128xf32>
    %dot_general3A = arith.constant dense<0.000000e+00> : vector<1000x128xf32>
    %dot_general3A_26 = tpu.matmul %div3A_22, %get3A_25, %dot_general3A {dimension_numbers = #tpu.dot_dimension_numbers<[1], [0], [0], [1], [0, 0, 1, 1], [], []>, transpose_lhs_hint = false} : vector<1000x128xf32>, vector<128x128xf32>, vector<1000x128xf32> -> vector<1000x128xf32>
    %get3A_27 = arith.constant 0 : index
    %get3A_28 = arith.constant 0 : index
    %get3A_29 = vector.load %arg3[%get3A_27, %get3A_28] : memref<1000x128xf32, #tpu.memory_space<vmem>>, vector<1000x128xf32>
    %get3A_30 = arith.constant 0 : index
    %get3A_31 = arith.constant 0 : index
    %get3A_32 = vector.load %arg5[%get3A_30, %get3A_31] : memref<128x128xf32, #tpu.memory_space<vmem>>, vector<128x128xf32>
    %dot_general3A_33 = arith.constant dense<0.000000e+00> : vector<1000x128xf32>
    %dot_general3A_34 = tpu.matmul %get3A_29, %get3A_32, %dot_general3A_33 {dimension_numbers = #tpu.dot_dimension_numbers<[1], [0], [0], [1], [0, 0, 1, 1], [], []>, transpose_lhs_hint = false} : vector<1000x128xf32>, vector<128x128xf32>, vector<1000x128xf32> -> vector<1000x128xf32>
    %add3A_35 = arith.addf %dot_general3A_26, %dot_general3A_34 : vector<1000x128xf32>
    %get3A_36 = arith.constant 0 : index
    %get3A_37 = arith.constant 0 : index
    %get3A_38 = vector.load %arg6[%get3A_36, %get3A_37] : memref<1x128xf32, #tpu.memory_space<vmem>>, vector<1x128xf32>
    %add3A_39 = vector.broadcast %get3A_38 : vector<1x128xf32> to vector<1000x128xf32>
    %add3A_40 = arith.addf %add3A_35, %add3A_39 : vector<1000x128xf32>
    %max3A_41 = arith.constant 0.000000e+00 : f32
    %max3A_42 = vector.broadcast %max3A_41 : f32 to vector<1000x128xf32>
    %max3A_43 = arith.maximumf %add3A_40, %max3A_42 : vector<1000x128xf32>
    %swap3A = arith.constant 0 : index
    %swap3A_44 = arith.constant 0 : index
    %swap3A_45 = vector.load %arg7[%swap3A, %swap3A_44] : memref<1000x128xf32, #tpu.memory_space<vmem>>, vector<1000x128xf32>
    tpu.vector_store %arg7[%swap3A, %swap3A_44], %max3A_43 {strides = array<i32>} : memref<1000x128xf32, #tpu.memory_space<vmem>>, vector<1000x128xf32>,
    return
  }
  func.func @transform_0(%arg0: i32) -> (i32, i32, i32) {
    %c0_i32 = arith.constant 0 : i32
    %c0_i32_0 = arith.constant 0 : i32
    %c0_i32_1 = arith.constant 0 : i32
    return %c0_i32, %arg0, %c0_i32_0 : i32, i32, i32
  }
  func.func @transform_1(%arg0: i32) -> (i32, i32, i32) {
    %c0_i32 = arith.constant 0 : i32
    %c0_i32_0 = arith.constant 0 : i32
    %c0_i32_1 = arith.constant 0 : i32
    return %c0_i32, %arg0, %c0_i32_0 : i32, i32, i32
  }
  func.func @transform_2(%arg0: i32) -> (i32, i32) {
    %c0_i32 = arith.constant 0 : i32
    %c0_i32_0 = arith.constant 0 : i32
    return %arg0, %c0_i32 : i32, i32
  }
  func.func @transform_3(%arg0: i32) -> (i32, i32) {
    %c0_i32 = arith.constant 0 : i32
    %c0_i32_0 = arith.constant 0 : i32
    %c0_i32_1 = arith.constant 0 : i32
    return %c0_i32, %c0_i32_0 : i32, i32
  }
  func.func @transform_4(%arg0: i32) -> (i32, i32) {
    %c0_i32 = arith.constant 0 : i32
    %c0_i32_0 = arith.constant 0 : i32
    %c0_i32_1 = arith.constant 0 : i32
    return %c0_i32, %c0_i32_0 : i32, i32
  }
  func.func @transform_5(%arg0: i32) -> (i32, i32) {
    %c0_i32 = arith.constant 0 : i32
    %c0_i32_0 = arith.constant 0 : i32
    %c0_i32_1 = arith.constant 0 : i32
    return %c0_i32, %c0_i32_0 : i32, i32
  }
  func.func @transform_6(%arg0: i32) -> (i32, i32) {
    %c0_i32 = arith.constant 0 : i32
    %c0_i32_0 = arith.constant 0 : i32
    return %arg0, %c0_i32 : i32, i32
  }
}

module attributes {stable_mosaic.version = 14 : i64} {
  func.func @_t2_body(%arg0: i32, %arg1: memref<2x1000x128xf32, #tpu.memory_space<vmem>>, %arg2: memref<2x1000x1xf32, #tpu.memory_space<vmem>>, %arg3: memref<1000x128xf32, #tpu.memory_space<vmem>>, %arg4: memref<128x128xf32, #tpu.memory_space<vmem>>, %arg5: memref<128x128xf32, #tpu.memory_space<vmem>>, %arg6: memref<1x128xf32, #tpu.memory_space<vmem>>, %arg7: memref<128x128xf32, #tpu.memory_space<vmem>>, %arg8: memref<1x128xf32, #tpu.memory_space<vmem>>, %arg9: memref<1000x128xf32, #tpu.memory_space<vmem>>) attributes {dimension_semantics = [#tpu.dimension_semantics<arbitrary>], iteration_bounds = array<i64: 10>, scalar_prefetch = 0 : i64, scratch_operands = 0 : i64, tpu.core_type = #tpu.core_type<tc>, window_params = [{transform_indices = @transform_0, window_bounds = array<i64: 2, 1000, 128>}, {transform_indices = @transform_1, window_bounds = array<i64: 2, 1000, 1>}, {transform_indices = @transform_2, window_bounds = array<i64: 1000, 128>}, {pipeline_mode = #tpu.pipeline_mode<synchronous>, transform_indices = @transform_3, window_bounds = array<i64: 128, 128>}, {pipeline_mode = #tpu.pipeline_mode<synchronous>, transform_indices = @transform_4, window_bounds = array<i64: 128, 128>}, {pipeline_mode = #tpu.pipeline_mode<synchronous>, transform_indices = @transform_5, window_bounds = array<i64: 1, 128>}, {pipeline_mode = #tpu.pipeline_mode<synchronous>, transform_indices = @transform_6, window_bounds = array<i64: 128, 128>}, {pipeline_mode = #tpu.pipeline_mode<synchronous>, transform_indices = @transform_7, window_bounds = array<i64: 1, 128>}, {transform_indices = @transform_8, window_bounds = array<i64: 1000, 128>}]} {
    %get3A = arith.constant 0 : index
    %get3A_0 = arith.constant 0 : index
    %get3A_1 = arith.constant 0 : index
    %get3A_2 = vector.load %arg1[%get3A, %get3A_0, %get3A_1] : memref<2x1000x128xf32, #tpu.memory_space<vmem>>, vector<1x1000x128xf32>
    %get3A_3 = vector.shape_cast %get3A_2 : vector<1x1000x128xf32> to vector<1000x128xf32>
    %get3A_4 = arith.constant 1 : index
    %get3A_5 = arith.constant 0 : index
    %get3A_6 = arith.constant 0 : index
    %get3A_7 = vector.load %arg1[%get3A_4, %get3A_5, %get3A_6] : memref<2x1000x128xf32, #tpu.memory_space<vmem>>, vector<1x1000x128xf32>
    %get3A_8 = vector.shape_cast %get3A_7 : vector<1x1000x128xf32> to vector<1000x128xf32>
    %add3A = arith.addf %get3A_3, %get3A_8 : vector<1000x128xf32>
    %get3A_9 = arith.constant 0 : index
    %get3A_10 = arith.constant 0 : index
    %get3A_11 = arith.constant 0 : index
    %get3A_12 = vector.load %arg2[%get3A_9, %get3A_10, %get3A_11] : memref<2x1000x1xf32, #tpu.memory_space<vmem>>, vector<1x1000x1xf32>
    %get3A_13 = vector.shape_cast %get3A_12 : vector<1x1000x1xf32> to vector<1000x1xf32>
    %get3A_14 = arith.constant 1 : index
    %get3A_15 = arith.constant 0 : index
    %get3A_16 = arith.constant 0 : index
    %get3A_17 = vector.load %arg2[%get3A_14, %get3A_15, %get3A_16] : memref<2x1000x1xf32, #tpu.memory_space<vmem>>, vector<1x1000x1xf32>
    %get3A_18 = vector.shape_cast %get3A_17 : vector<1x1000x1xf32> to vector<1000x1xf32>
    %add3A_19 = arith.addf %get3A_13, %get3A_18 : vector<1000x1xf32>
    %max3A = arith.constant 1.000000e+00 : f32
    %max3A_20 = vector.broadcast %max3A : f32 to vector<1000x1xf32>
    %max3A_21 = arith.maximumf %add3A_19, %max3A_20 : vector<1000x1xf32>
    %div3A = vector.broadcast %max3A_21 : vector<1000x1xf32> to vector<1000x128xf32>
    %div3A_22 = arith.divf %add3A, %div3A : vector<1000x128xf32>
    %get3A_23 = arith.constant 0 : index
    %get3A_24 = arith.constant 0 : index
    %get3A_25 = vector.load %arg4[%get3A_23, %get3A_24] : memref<128x128xf32, #tpu.memory_space<vmem>>, vector<128x128xf32>
    %dot_general3A = arith.constant dense<0.000000e+00> : vector<1000x128xf32>
    %dot_general3A_26 = tpu.matmul %div3A_22, %get3A_25, %dot_general3A {dimension_numbers = #tpu.dot_dimension_numbers<[1], [0], [0], [1], [0, 0, 1, 1], [], []>, transpose_lhs_hint = false} : vector<1000x128xf32>, vector<128x128xf32>, vector<1000x128xf32> -> vector<1000x128xf32>
    %get3A_27 = arith.constant 0 : index
    %get3A_28 = arith.constant 0 : index
    %get3A_29 = vector.load %arg3[%get3A_27, %get3A_28] : memref<1000x128xf32, #tpu.memory_space<vmem>>, vector<1000x128xf32>
    %get3A_30 = arith.constant 0 : index
    %get3A_31 = arith.constant 0 : index
    %get3A_32 = vector.load %arg5[%get3A_30, %get3A_31] : memref<128x128xf32, #tpu.memory_space<vmem>>, vector<128x128xf32>
    %dot_general3A_33 = arith.constant dense<0.000000e+00> : vector<1000x128xf32>
    %dot_general3A_34 = tpu.matmul %get3A_29, %get3A_32, %dot_general3A_33 {dimension_numbers = #tpu.dot_dimension_numbers<[1], [0], [0], [1], [0, 0, 1, 1], [], []>, transpose_lhs_hint = false} : vector<1000x128xf32>, vector<128x128xf32>, vector<1000x128xf32> -> vector<1000x128xf32>
    %add3A_35 = arith.addf %dot_general3A_26, %dot_general3A_34 : vector<1000x128xf32>
    %get3A_36 = arith.constant 0 : index
    %get3A_37 = arith.constant 0 : index
    %get3A_38 = vector.load %arg6[%get3A_36, %get3A_37] : memref<1x128xf32, #tpu.memory_space<vmem>>, vector<1x128xf32>
    %add3A_39 = vector.broadcast %get3A_38 : vector<1x128xf32> to vector<1000x128xf32>
    %add3A_40 = arith.addf %add3A_35, %add3A_39 : vector<1000x128xf32>
    %max3A_41 = arith.constant 0.000000e+00 : f32
    %max3A_42 = vector.broadcast %max3A_41 : f32 to vector<1000x128xf32>
    %max3A_43 = arith.maximumf %add3A_40, %max3A_42 : vector<1000x128xf32>
    %get3A_44 = arith.constant 0 : index
    %get3A_45 = arith.constant 0 : index
    %get3A_46 = vector.load %arg7[%get3A_44, %get3A_45] : memref<128x128xf32, #tpu.memory_space<vmem>>, vector<128x128xf32>
    %dot_general3A_47 = arith.constant dense<0.000000e+00> : vector<1000x128xf32>
    %dot_general3A_48 = tpu.matmul %max3A_43, %get3A_46, %dot_general3A_47 {dimension_numbers = #tpu.dot_dimension_numbers<[1], [0], [0], [1], [0, 0, 1, 1], [], []>, transpose_lhs_hint = false} : vector<1000x128xf32>, vector<128x128xf32>, vector<1000x128xf32> -> vector<1000x128xf32>
    %get3A_49 = arith.constant 0 : index
    %get3A_50 = arith.constant 0 : index
    %get3A_51 = vector.load %arg8[%get3A_49, %get3A_50] : memref<1x128xf32, #tpu.memory_space<vmem>>, vector<1x128xf32>
    %add3A_52 = vector.broadcast %get3A_51 : vector<1x128xf32> to vector<1000x128xf32>
    %add3A_53 = arith.addf %dot_general3A_48, %add3A_52 : vector<1000x128xf32>
    %swap3A = arith.constant 0 : index
    %swap3A_54 = arith.constant 0 : index
    %swap3A_55 = vector.load %arg9[%swap3A, %swap3A_54] : memref<1000x128xf32, #tpu.memory_space<vmem>>, vector<1000x128xf32>
    tpu.vector_store %arg9[%swap3A, %swap3A_54], %add3A_53 {strides = array<i32>} : memref<1000x128xf32, #tpu.memory_space<vmem>>, vector<1000x128xf32>,
    return
  }
  func.func @transform_0(%arg0: i32) -> (i32, i32, i32) {
    %c0_i32 = arith.constant 0 : i32
    %c0_i32_0 = arith.constant 0 : i32
    %c0_i32_1 = arith.constant 0 : i32
    return %c0_i32, %arg0, %c0_i32_0 : i32, i32, i32
  }
  func.func @transform_1(%arg0: i32) -> (i32, i32, i32) {
    %c0_i32 = arith.constant 0 : i32
    %c0_i32_0 = arith.constant 0 : i32
    %c0_i32_1 = arith.constant 0 : i32
    return %c0_i32, %arg0, %c0_i32_0 : i32, i32, i32
  }
  func.func @transform_2(%arg0: i32) -> (i32, i32) {
    %c0_i32 = arith.constant 0 : i32
    %c0_i32_0 = arith.constant 0 : i32
    return %arg0, %c0_i32 : i32, i32
  }
  func.func @transform_3(%arg0: i32) -> (i32, i32) {
    %c0_i32 = arith.constant 0 : i32
    %c0_i32_0 = arith.constant 0 : i32
    %c0_i32_1 = arith.constant 0 : i32
    return %c0_i32, %c0_i32_0 : i32, i32
  }
  func.func @transform_4(%arg0: i32) -> (i32, i32) {
    %c0_i32 = arith.constant 0 : i32
    %c0_i32_0 = arith.constant 0 : i32
    %c0_i32_1 = arith.constant 0 : i32
    return %c0_i32, %c0_i32_0 : i32, i32
  }
  func.func @transform_5(%arg0: i32) -> (i32, i32) {
    %c0_i32 = arith.constant 0 : i32
    %c0_i32_0 = arith.constant 0 : i32
    %c0_i32_1 = arith.constant 0 : i32
    return %c0_i32, %c0_i32_0 : i32, i32
  }
  func.func @transform_6(%arg0: i32) -> (i32, i32) {
    %c0_i32 = arith.constant 0 : i32
    %c0_i32_0 = arith.constant 0 : i32
    %c0_i32_1 = arith.constant 0 : i32
    return %c0_i32, %c0_i32_0 : i32, i32
  }
  func.func @transform_7(%arg0: i32) -> (i32, i32) {
    %c0_i32 = arith.constant 0 : i32
    %c0_i32_0 = arith.constant 0 : i32
    %c0_i32_1 = arith.constant 0 : i32
    return %c0_i32, %c0_i32_0 : i32, i32
  }
  func.func @transform_8(%arg0: i32) -> (i32, i32) {
    %c0_i32 = arith.constant 0 : i32
    %c0_i32_0 = arith.constant 0 : i32
    return %arg0, %c0_i32 : i32, i32
  }
}

</mosaic_0001>

<sc_bundles>
// kernel: kernel.6.cloned.1.call-start
scs
__scs_entry_jumppad:
0x0: {  	(pc) =	sbr.rel $0x88, $3  }
0x1: {  	(tag) =	ssettag $0x0;
	lr =	simm.s32 $0x1  }
0x2: {  	[smem:$0x3F97] =	sst lr;
	_ =	strace $0xD0000000  }
0x3: {  	_ = 	snop  }
0x4: {  	_ = 	snop  }
0x5: {  	_ = 	snop  }
0x6: {  	_ = 	snop  }
0x7: {  	_ = 	snop  }
__scs_overlays_trampoline_lowered:
0x8: {  	[smem:$0x3FA6] =	sst s0  }
0x9: {  	[smem:$0x3FA7] =	sst s1  }
0xa: {  	[smem:$0x3FA8] =	sst s2  }
0xb: {  	[smem:$0x3FA9] =	sst s3  }
0xc: {  	[smem:$0x3FAA] =	sst s4  }
0xd: {  	[smem:$0x3FAB] =	sst s5  }
0xe: {  	[smem:$0x3FAC] =	sst s6  }
0xf: {  	[smem:$0x3FAD] =	sst s7  }
0x10: {  	[smem:$0x3FAE] =	sst s8  }
0x11: {  	[smem:$0x3FAF] =	sst s9;
	s0 =	simm.s32 @!p0 $0x0  }
0x12: {  	s1 =	sld [smem:$0x3F95];
	s0 =	simm.s32 @p0 $0x1  }
0x13: {  	[smem:$0x3FB0] =	sst s0;
	s0 =	simm.s32 @!p1 $0x0  }
0x14: {  	s2 =	sld [smem:$0x3F94];
	s0 =	simm.s32 @p1 $0x1  }
0x15: {  	[smem:$0x3FB1] =	sst s0;
	s0 =	simm.s32 @!p2 $0x0  }
0x16: {  	s3 =	sld [smem:$0x3FDB];
	s0 =	simm.s32 @p2 $0x1  }
0x17: {  	s4 =	simm.s32 $0x1BF5;
	[smem:$0x3FB3] =	sst s0  }
0x18: {  	s0 =	sld [smem:$0x3F96];
	_ =	swait.ge [sflag:s4], $0x0  }
0x19: {  	s7 =	sld [smem:$0x3F97]  }
0x1a: {  	s8 =	sadd.s32 $0xFFFFE003, lr  }
0x1b: {  	s9 =	sadd.s32 $0xFFFFFEF7, lr;
	s5 =	simm.s32 $0xFFFFFFFF;
	p2 =	slt.u32 s8, $0xFFFFF086  }
0x1c: {  	p1 =	slt.u32 s9, $0xF7A;
	s5 =	simm.s32 @!p2 $0x0  }
0x1d: {  	s5 =	simm.s32 @p1 $0x1;
	p0 =	seq.s32 s7, s2  }
0x1e: {  	s7 =	smul.u32 @!p0 $0xF7A, s2;
	p2 =	seq.s32 @!p0 s5, $0x0  }
0x1f: {  	s9 =	smul.u32 $0xF7A, s1;
	s8 =	simm.s32 @!p0 $0x1BF5;
	p2 =	por !p2, p0  }
0x20: {  	[sflag:s8] =	ssyncset.s32 @!p0 $0xFFFFF086;
	s6 =	sadd.s32 @!p0 s3, s7;
	s7 =	simm.s32 @!p0 $0x108  }
0x21: {  	s3 =	sadd.s32 s3, s9;
	s6 =	sadd.s32 @!p0 $0x88, s6;
	s7 =	simm.s32 @p2 $0x1082  }
0x22: {  	[simem:s7], [sflag:s8] =	dma.local @!p0 [hbm:s6], $0xF7A  }
0x23: {  	s9 =	sor.u32 $0xD0000000, s2;
	s6 =	simm.s32 $0x108;
	_ =	swait.ge @!p0 [sflag:s8], $0x0  }
0x24: {  	s3 =	sadd.s32 $0x88, s3;
	s6 =	simm.s32 @!p1 $0x1082;
	[sflag:s4] =	ssyncset.s32 $0xFFFFF086  }
0x25: {  	[simem:s6], [sflag:s4] =	dma.local [hbm:s3], $0xF7A  }
0x26: {  	[smem:$0x3F97] =	sst s1;
	(tag) =	ssettag s2;
	_ =	strace s9  }
0x27: {  	s1 =	sld [smem:$0x3FA7]  }
0x28: {  	s2 =	sld [smem:$0x3FA8]  }
0x29: {  	s4 =	sld [smem:$0x3FAA]  }
0x2a: {  	p0 =	seq.s32 s5, $0x0;
	s5 =	sld [smem:$0x3FAB]  }
0x2b: {  	s6 =	sld [smem:$0x3FAC]  }
0x2c: {  	s7 =	sld [smem:$0x3FAD]  }
0x2d: {  	s3 =	simm.s32 $0x108;
	s8 =	sld [smem:$0x3FAE]  }
0x2e: {  	s3 =	simm.s32 @!p0 $0x1082;
	s9 =	sld [smem:$0x3FAF]  }
0x2f: {  	lr =	sadd.s32 s0, s3;
	s0 =	sld [smem:$0x3FA6]  }
0x30: {  	s3 =	sld [smem:$0x3FA9]  }
0x31: {  	[smem:$0x3FB2] =	sst s10  }
0x32: {  	s10 =	sld [smem:$0x3FB0];
	_ =	sdelay $0x3  }
0x33: {  	p0 =	seq.s32 s10, $0x1;
	s10 =	sld [smem:$0x3FB2];
	_ =	sdelay $0x3  }
0x34: {  	[smem:$0x3FB2] =	sst s10  }
0x35: {  	s10 =	sld [smem:$0x3FB1];
	_ =	sdelay $0x3  }
0x36: {  	p1 =	seq.s32 s10, $0x1;
	s10 =	sld [smem:$0x3FB2];
	_ =	sdelay $0x3  }
0x37: {  	[smem:$0x3FB2] =	sst s10  }
0x38: {  	s10 =	sld [smem:$0x3FB3]  }
0x39: {  	_ = 	snop;
	(pc) =	sbr.ind lr, $3  }
0x3a: {  	_ = 	snop  }
0x3b: {  	_ = 	snop  }
0x3c: {  	p2 =	seq.s32 s10, $0x1;
	s10 =	sld [smem:$0x3FB2]  }
0x3d: {  	_ =	shalt  }
0x3e: {  	_ =	shalt  }
0x3f: {  	_ =	shalt  }
0x40: {  	_ =	shalt  }
0x41: {  	_ =	shalt  }
0x42: {  	_ =	shalt  }
0x43: {  	_ =	shalt  }
0x44: {  	_ =	shalt  }
0x45: {  	_ =	shalt  }
0x46: {  	_ =	shalt  }
0x47: {  	_ =	shalt  }
0x48: {  	_ =	shalt  }
0x49: {  	_ =	shalt  }
0x4a: {  	_ =	shalt  }
0x4b: {  	_ =	shalt  }
0x4c: {  	_ =	shalt  }
0x4d: {  	_ =	shalt  }
0x4e: {  	_ =	shalt  }
0x4f: {  	_ =	shalt  }
0x50: {  	_ =	shalt  }
0x51: {  	_ =	shalt  }
0x52: {  	_ =	shalt  }
0x53: {  	_ =	shalt  }
0x54: {  	_ =	shalt  }
0x55: {  	_ =	shalt  }
0x56: {  	_ =	shalt  }
0x57: {  	_ =	shalt  }
0x58: {  	_ =	shalt  }
0x59: {  	_ =	shalt  }
0x5a: {  	_ =	shalt  }
0x5b: {  	_ =	shalt  }
0x5c: {  	_ =	shalt  }
0x5d: {  	_ =	shalt  }
0x5e: {  	_ =	shalt  }
0x5f: {  	_ =	shalt  }
0x60: {  	_ =	shalt  }
0x61: {  	_ =	shalt  }
0x62: {  	_ =	shalt  }
0x63: {  	_ =	shalt  }
0x64: {  	_ =	shalt  }
0x65: {  	_ =	shalt  }
0x66: {  	_ =	shalt  }
0x67: {  	_ =	shalt  }
0x68: {  	_ =	shalt  }
0x69: {  	_ =	shalt  }
0x6a: {  	_ =	shalt  }
0x6b: {  	_ =	shalt  }
0x6c: {  	_ =	shalt  }
0x6d: {  	_ =	shalt  }
0x6e: {  	_ =	shalt  }
0x6f: {  	_ =	shalt  }
0x70: {  	_ =	shalt  }
0x71: {  	_ =	shalt  }
0x72: {  	_ =	shalt  }
0x73: {  	_ =	shalt  }
0x74: {  	_ =	shalt  }
0x75: {  	_ =	shalt  }
0x76: {  	_ =	shalt  }
0x77: {  	_ =	shalt  }
0x78: {  	_ =	shalt  }
0x79: {  	_ =	shalt  }
0x7a: {  	_ =	shalt  }
0x7b: {  	_ =	shalt  }
0x7c: {  	_ =	shalt  }
0x7d: {  	_ =	shalt  }
0x7e: {  	_ =	shalt  }
0x7f: {  	_ =	shalt  }
0x80: {  	_ =	shalt  }
0x81: {  	_ =	shalt  }
0x82: {  	_ =	shalt  }
0x83: {  	_ =	shalt  }
0x84: {  	_ =	shalt  }
0x85: {  	_ =	shalt  }
0x86: {  	_ =	shalt  }
0x87: {  	_ =	shalt  }
.Lfunc_end0:
.L_simem_size_0:
called_computation_lowered:
.L_overlay_start_0:
0x88: {  	s2 =	sld [smem:$0x3FD9]  }
0x89: {  	s3 =	sld [smem:$0x3FFE];
	_ =	sdelay $0x1  }
0x8a: {  	s1 =	srdreg.scid  }
0x8b: {  	s0 =	sand.u32 $0x1, s1  }
0x8c: {  	s17 =	sshll.u32 s0, $0xA;
	s2 =	sadd.s32 s3, s2  }
0x8d: {  	s2 =	sadd.s32 s2, s17  }
0x8e: {  	[smem:$0x3FBE] =	sst s2  }
0x8f: {  	_ = 	snop  }
0x90: {  	s2 =	sld [smem:$0x3FC9]  }
0x91: {  	s18 =	sld [smem:$0x3FD0];
	(tm) =	ssettm $0x1  }
0x92: {  	s4 =	sld [smem:$0x3FFB];
	_ =	sdelay $0x3  }
0x93: {  	_ =	strace s4  }
0x94: {  	s4 =	sld [smem:$0x3FFC];
	_ =	sdelay $0x3  }
0x95: {  	_ =	strace s4  }
0x96: {  	s4 =	sld [smem:$0x3FFD];
	_ =	sdelay $0x3  }
0x97: {  	_ =	strace s4  }
0x98: {  	_ =	strace $0x8FFFFFFF  }
0x99: {  	s19 =	sld [smem:$0x3FDB];
	_ =	sdelay $0x1  }
0x9a: {  	s5 =	simm.s32 $_scs_section_size  }
0x9b: {  	s6 =	simm.s32 $_size__tile_overlayer_lowered;
	s7 =	simm.s32 $_tile_overlayer_lowered  }
0x9c: {  	s22 =	simm.s32 $0x1BFF;
	s21 =	sshll.u32 s7, $0x1;
	s4 =	sadd.s32 s5, s19  }
0x9d: {  	s8 =	simm.s32 $0x0;
	s20 =	sshll.u32 s6, $0x1;
	s6 =	sadd.s32 s21, s4  }
0x9e: {  	[timem:s8], [sflag:s22] =	dma.local [hbm:s6], s20  }
0x9f: {  	_ =	swait.ge [sflag:s22], s20  }
0xa0: {  	s5 =	ssub.s32 $0x0, s20;
	[sflag:s22] =	ssyncset.done $0x0  }
0xa1: {  	[sflag:s22] =	ssyncadd.s32 s5;
	_ =	sdelay $0x1  }
0xa2: {  	s23 =	simm.s32 $0x1B8B  }
0xa3: {  	_ =	swait.ge [sflag:s23], $0x1  }
0xa4: {  	[sflag:s23] =	ssyncset.done $0x0  }
0xa5: {  	s25 =	simm.s32 $0x1B8E;
	s24 =	sld [smem:$0x3FFE];
	[sflag:s23] =	ssyncadd.s32 $0xFFFFFFFF  }
0xa6: {  	s26 =	simm.s32 $execute0_lowered;
	[smem:$0x3FD2] =	sst s25  }
0xa7: {  	s6 =	sshll.u32 s26, $0x1;
	_ =	strace $0x80000046;
	[dreg:$0x1] =	wrdreg $0xFFFFFFFF  }
0xa8: {  	s28 =	simm.s32 $_size_execute0_lowered;
	s4 =	sadd.s32 s4, s6;
	[dreg:$0x0] =	wrdreg $0x0  }
0xa9: {  	s6 =	sshll.u32 s28, $0x1;
	[dreg:$0x2] =	wrdreg s4  }
0xaa: {  	[dreg:$0x3] =	wrdreg s6  }
0xab: {  	[dreg:$0x4] =	wrdreg $0xC0  }
0xac: {  	_ =	task [dreg:s8], $0x5FFFF  }
0xad: {  	[dreg:$0x1] =	wrdreg $0xFFFFFFFF  }
0xae: {  	[dreg:$0x0] =	wrdreg $0x60  }
0xaf: {  	[dreg:$0x2] =	wrdreg s2  }
0xb0: {  	[dreg:$0x3] =	wrdreg s24  }
0xb1: {  	[dreg:$0x4] =	wrdreg s18  }
0xb2: {  	[dreg:$0x5] =	wrdreg $0xA8000  }
0xb3: {  	[dreg:$0x6] =	wrdreg $0x1E8800  }
0xb4: {  	[dreg:$0x7] =	wrdreg $0x9  }
0xb5: {  	_ =	task.clear_ibuf [dreg:s8], $0x8FFFF;
	_ =	strace $0x90000046  }
0xb6: {  	s29 =	simm.s32 $0x9;
	_ =	strace $0x80000048  }
0xb7: {  	_ =	swait.ge [sflag:s29], $0x1  }
0xb8: {  	[sflag:s29] =	ssyncadd.s32 $0xFFFFFFFF  }
0xb9: {  	_ =	strace $0x90000048  }
0xba: {  	_ =	sfence  }
0xbb: {  	s30 =	sld [smem:$0x0];
	_ =	sdelay $0x2  }
0xbc: {  	s31 =	sshll.u32 s1, $0xD;
	s1 =	sshrl.u32 s1, $0x2  }
0xbd: {  	s3 =	sand.u32 $0x4000, s31;
	s1 =	sadd.s32 s1, s30  }
0xbe: {  	s0 =	sor.u32 s3, s0;
	s1 =	sshll.u32 s1, $0x11  }
0xbf: {  	s0 =	sor.u32 s1, s0  }
0xc0: {  	s0 =	sadd.s32 $0x8F2B, s0  }
0xc1: {  	[sflag:s0] =	ssyncadd.remote.s32 $0x1  }
0xc2: {  	_ =	sfence.sel $0xFFFF  }
0xc3: {  	[dreg:$0x0] =	wrdreg $0xFFFFFFFF;
	(pc) =	sbr.abs _section_cstart, $3  }
0xc4: {  	[dreg:$0x1] =	wrdreg $0xFFFFFFFF  }
0xc5: {  	_ =	task.clear_ibuf [dreg:s8], $0x2FFFF;
	_ =	strace $0x9FFFFFFF  }
0xc6: {  	(tm) =	ssettm $0x7FFFFFFF  }
0xc7: {  	_ =	shalt  }
tec
execute0_lowered:
.L_overlay_start_1:
0x0: {  	(tag) =	ssettag $0x1  }
0x1: {  	s1 =	rddreg [dreg:$0x0]  }
0x2: {  	s0 =	rddreg [dreg:$0x1]  }
0x3: {  	s4 =	rddreg [dreg:$0x2]  }
0x4: {  	s2 =	rddreg [dreg:$0x3]  }
0x5: {  	s3 =	rddreg [dreg:$0x4]  }
0x6: {  	s6 =	simm.s32 $0x0;
	s5 =	srdreg.scid;
	s17 =	stileid.u32  }
0x7: {  	s19 =	simm.s32 $0x1E800;
	s20 =	simm.s32 $0x1400;
	s28 =	simm.s32 $0x2700  }
0x8: {  	s29 =	simm.s32 $0x2780;
	[smem:$0x7FF] =	sst s6;
	s11 =	smul.u32 $0x14000, s17  }
0x9: {  	s5 =	sand.u32 $0x1, s5;
	s6 =	sadd.s32 $0xC400, s0;
	s14 =	smul.u32 $0x50000, s17  }
0xa: {  	s7 =	sadd.s32 $0x2400, s0;
	s8 =	sadd.s32 $0x16800, s0;
	s24 =	smul.u32 $0xA00, s17  }
0xb: {  	s9 =	sadd.s32 $0x16600, s0;
	s22 =	sshll.u32 s17, $0x1;
	s26 =	smul.u32 $0x500, s17  }
0xc: {  	s30 =	sshll.u32 s17, $0x6;
	s17 =	simm.s32 $0x4;
	s10 =	smul.u32 $0x140000, s5  }
0xd: {  	_ =	strace $0x80000047;
	s21 =	ssub.s32 $0x2, s5;
	s25 =	sor.u32 s5, s22  }
0xe: {  	s5 =	sshll.u32 s5, $0x7;
	s22 =	simm.s32 $0x2800;
	s13 =	sshrl.u32 s21, $0x1  }
0xf: {  	s23 =	sshrl.u32 s14, $0x2;
	s5 =	sor.u32 s5, s26;
	s26 =	simm.s32 $0x2  }
0x10: {  	s10 =	sadd.s32 s11, s10;
	s15 =	ssub.s32 s21, s13;
	s16 =	sadd.s32 s23, s2  }
0x11: {  	s13 =	sshrl.u32 s24, $0x2;
	s11 =	sor.u32 $0x1C04, s30;
	s31 =	sshrl.u32 s5, $0x3  }
0x12: {  	s21 =	simm.s32 $0x80;
	s23 =	simm.s32 $0x6800;
	s24 =	simm.s32 $0x1  }
0x13: {  	s12 =	sshrl.u32 s10, $0x3;
	s10 =	sadd.s32 $0x16400, s0;
	s18 =	sadd.s32 s13, s3  }
0x14: {  	s14 =	sadd.s32 s4, s31;
	s15 =	smax.u32 s15, $0x1;
	s16 =	sshrl.u32 s16, $0x3  }
0x15: {  	s0 =	sadd.s32 s12, s0;
	s12 =	smul.u32 $0x2800, s25;
	s18 =	sshrl.u32 s18, $0x3  }
0x16: {  	s25 =	simm.s32 $0x3;
	s13 =	sadd.s32 $0x19000, s0;
	s0 =	simm.s32 $0x0  }
.LBB2_1:
0x17: {  	[spmem:s16], [sflag:s11] =	dma.local [hbm:s8], $0x2800  }
0x18: {  	_ =	swait.ge [sflag:s17], $0x2800  }
0x19: {  	[sflag:s17] =	ssyncset.done $0x0  }
0x1a: {  	[sflag:s17] =	ssyncadd.s32 $0xFFFFD800  }
0x1b: {  	[spmem:s18], [sflag:s11] =	dma.local [hbm:s9], $0x50  }
0x1c: {  	_ =	swait.ge [sflag:s17], $0x50  }
0x1d: {  	[sflag:s17] =	ssyncset.done $0x0  }
0x1e: {  	s4 =	simm.s32 $0x0;
	[sflag:s17] =	ssyncadd.s32 $0xFFFFFFB0  }
0x1f: {  	[tilespmem:s19], [sflag:$0x4] =	stream.linear.gather [hbm4b:s10+s4], $0x80, $0x38;
	[tilespmem:$0x1EB00] =	vst v63  }
0x20: {  	_ =	swait.ge [sflag:s17], $0x80  }
0x21: {  	[sflag:s17] =	ssyncset.done $0x0  }
0x22: {  	[sflag:s17] =	ssyncadd.s32 $0xFFFFFF80  }
0x23: {  	p1 =	por $0x1, $0x1;
	s4 =	simm.s32 $0x0;
	[bflag:$0x0] =	sbarrier.arrive $0xFFFF  }
.LBB2_2:
0x24: {  	s4 =	sadd.s32 s12, s4  }
0x25: {  	s4 =	sshrl.u32 s4, $0x3  }
0x26: {  	s30 =	simm.s32 $0x0;
	s5 =	sadd.s32 s6, s4  }
0x27: {  	[tilespmem:s30], [sflag:$0x4] =	stream.linear.gather [hbm4b:s5+s30], $0x1400, $0x38;
	[tilespmem:$0x1EB00] =	vst v63  }
0x28: {  	_ =	swait.ge [sflag:s17], $0x1400  }
0x29: {  	[sflag:s17] =	ssyncset.done $0x0  }
0x2a: {  	s4 =	sadd.s32 s7, s4;
	[sflag:s17] =	ssyncadd.s32 $0xFFFFEC00  }
0x2b: {  	[tilespmem:s20], [sflag:$0x4] =	stream.linear.gather [hbm4b:s4+s30], $0x1400, $0x38;
	[tilespmem:$0x1EB00] =	vst v63  }
0x2c: {  	_ =	swait.ge [sflag:s17], $0x1400  }
0x2d: {  	[sflag:s17] =	ssyncset.done $0x0  }
0x2e: {  	[sflag:s17] =	ssyncadd.s32 $0xFFFFEC00  }
0x2f: {  	[tilespmem:s22], [sflag:$0x1] =	stream.indirect.gather [hbm4b:s1+s21], $0x80, s30, s21, $0xb8;
	[tilespmem:$0x1EB00] =	vst v63  }
0x30: {  	_ = 	snop  }
0x31: {  	[tilespmem:s23], [sflag:$0x2] =	stream.indirect.gather [hbm4b:s1+s21], $0x80, s21, s21, $0xb8;
	[tilespmem:$0x1EB00] =	vst v63  }
0x32: {  	_ = 	snop  }
0x33: {  	[spmem:s3] =	stream.indirect.scatter.add.f32 [tilespmem:s19], [sflag:$0x3], $0x1, s20, s21, $0xb8;
	[tilespmem:$0x1EB00] =	vst v63  }
0x34: {  	_ =	swait.ge [sflag:s24], $0x4000  }
0x35: {  	[sflag:s24] =	ssyncset.done $0x0  }
0x36: {  	s30 =	simm.s32 $0x1400;
	[sflag:s24] =	ssyncadd.s32 $0xFFFFC000  }
0x37: {  	[spmem:s2] =	stream.indirect.scatter.add.f32 [tilespmem:s22], [sflag:$0x4], $0x80, s30, s21, $0xb8;
	[tilespmem:$0x1EB00] =	vst v63  }
0x38: {  	_ =	swait.ge [sflag:s17], $0x4000  }
0x39: {  	[sflag:s17] =	ssyncset.done $0x0  }
0x3a: {  	[sflag:s17] =	ssyncadd.s32 $0xFFFFC000  }
0x3b: {  	_ =	swait.ge [sflag:s25], $0x80  }
0x3c: {  	[sflag:s25] =	ssyncset.done $0x0  }
0x3d: {  	s31 =	simm.s32 $0x1480;
	[sflag:s25] =	ssyncadd.s32 $0xFFFFFF80  }
0x3e: {  	[spmem:s3] =	stream.indirect.scatter.add.f32 [tilespmem:s19], [sflag:$0x3], $0x1, s31, s21, $0xb8;
	[tilespmem:$0x1EB00] =	vst v63  }
0x3f: {  	s30 =	simm.s32 $0x100  }
0x40: {  	[tilespmem:s22], [sflag:$0x1] =	stream.indirect.gather [hbm4b:s1+s21], $0x80, s30, s21, $0xb8;
	[tilespmem:$0x1EB00] =	vst v63  }
0x41: {  	_ =	swait.ge [sflag:s26], $0x4000  }
0x42: {  	[sflag:s26] =	ssyncset.done $0x0  }
0x43: {  	[sflag:s26] =	ssyncadd.s32 $0xFFFFC000  }
0x44: {  	[spmem:s2] =	stream.indirect.scatter.add.f32 [tilespmem:s23], [sflag:$0x4], $0x80, s31, s21, $0xb8;
	[tilespmem:$0x1EB00] =	vst v63  }
0x45: {  	_ =	swait.ge [sflag:s17], $0x4000  }
0x46: {  	[sflag:s17] =	ssyncset.done $0x0  }
0x47: {  	[sflag:s17] =	ssyncadd.s32 $0xFFFFC000  }
0x48: {  	_ =	swait.ge [sflag:s25], $0x80  }
0x49: {  	p0 =	por p1, p1;
	s5 =	simm.s32 $0x180;
	[sflag:s25] =	ssyncset.done $0x0  }
0x4a: {  	s4 =	simm.s32 $0x400;
	s31 =	simm.s32 $0x1500;
	[sflag:s25] =	ssyncadd.s32 $0xFFFFFF80  }
0x4b: {  	[spmem:s3] =	stream.indirect.scatter.add.f32 [tilespmem:s19], [sflag:$0x3], $0x1, s31, s21, $0xb8;
	[tilespmem:$0x1EB00] =	vst v63  }
.LBB2_3:
0x4c: {  	[tilespmem:s23], [sflag:$0x2] =	stream.indirect.gather [hbm4b:s1+s21], $0x80, s5, s21, $0xb8;
	[tilespmem:$0x1EB00] =	vst v63  }
0x4d: {  	s5 =	smov.u32 s4  }
0x4e: {  	p1 =	sne.s32 s4, $0x4800;
	s4 =	sadd.s32 $0x400, s4;
	_ =	swait.ge [sflag:s24], $0x4000  }
0x4f: {  	s5 =	sshra.s32 s5, $0x2;
	[sflag:s24] =	ssyncset.done $0x0  }
0x50: {  	s30 =	sadd.s32 $0x1400, s5;
	[sflag:s24] =	ssyncadd.s32 $0xFFFFC000  }
0x51: {  	[spmem:s2] =	stream.indirect.scatter.add.f32 [tilespmem:s22], [sflag:$0x4], $0x80, s30, s21, $0xb8;
	[tilespmem:$0x1EB00] =	vst v63  }
0x52: {  	_ =	swait.ge [sflag:s17], $0x4000  }
0x53: {  	[sflag:s17] =	ssyncset.done $0x0  }
0x54: {  	[sflag:s17] =	ssyncadd.s32 $0xFFFFC000  }
0x55: {  	_ =	swait.ge [sflag:s25], $0x80  }
0x56: {  	[sflag:s25] =	ssyncset.done $0x0  }
0x57: {  	s30 =	sadd.s32 $0x1480, s5;
	[sflag:s25] =	ssyncadd.s32 $0xFFFFFF80  }
0x58: {  	[spmem:s3] =	stream.indirect.scatter.add.f32 [tilespmem:s19], [sflag:$0x3], $0x1, s30, s21, $0xb8;
	[tilespmem:$0x1EB00] =	vst v63  }
0x59: {  	s31 =	sadd.s32 $0x100, s5  }
0x5a: {  	[tilespmem:s22], [sflag:$0x1] =	stream.indirect.gather [hbm4b:s1+s21], $0x80, s31, s21, $0xb8;
	[tilespmem:$0x1EB00] =	vst v63  }
0x5b: {  	_ =	swait.ge [sflag:s26], $0x4000  }
0x5c: {  	[sflag:s26] =	ssyncset.done $0x0  }
0x5d: {  	[sflag:s26] =	ssyncadd.s32 $0xFFFFC000  }
0x5e: {  	[spmem:s2] =	stream.indirect.scatter.add.f32 [tilespmem:s23], [sflag:$0x4], $0x80, s30, s21, $0xb8;
	[tilespmem:$0x1EB00] =	vst v63  }
0x5f: {  	_ =	swait.ge [sflag:s17], $0x4000  }
0x60: {  	[sflag:s17] =	ssyncset.done $0x0  }
0x61: {  	[sflag:s17] =	ssyncadd.s32 $0xFFFFC000  }
.Ltmp0:
0x62: {  	_ =	swait.ge [sflag:s25], $0x80;
	(pc) =	sbr.rel @p1 .LBB2_3-.Ltmp0, $4  }
0x63: {  	[sflag:s25] =	ssyncset.done $0x0  }
0x64: {  	s30 =	sadd.s32 $0x1500, s5;
	[sflag:s25] =	ssyncadd.s32 $0xFFFFFF80  }
0x65: {  	[spmem:s3] =	stream.indirect.scatter.add.f32 [tilespmem:s19], [sflag:$0x3], $0x1, s30, s21, $0xb8;
	[tilespmem:$0x1EB00] =	vst v63  }
0x66: {  	s5 =	sadd.s32 $0x180, s5  }
0x67: {  	[tilespmem:s23], [sflag:$0x2] =	stream.indirect.gather [hbm4b:s1+s21], $0x80, s5, s21, $0xb8;
	[tilespmem:$0x1EB00] =	vst v63  }
0x68: {  	_ =	swait.ge [sflag:s24], $0x4000  }
0x69: {  	[sflag:s24] =	ssyncset.done $0x0  }
0x6a: {  	[sflag:s24] =	ssyncadd.s32 $0xFFFFC000  }
0x6b: {  	[spmem:s2] =	stream.indirect.scatter.add.f32 [tilespmem:s22], [sflag:$0x4], $0x80, s28, s21, $0xb8;
	[tilespmem:$0x1EB00] =	vst v63  }
0x6c: {  	_ =	swait.ge [sflag:s17], $0x4000  }
0x6d: {  	[sflag:s17] =	ssyncset.done $0x0  }
0x6e: {  	[sflag:s17] =	ssyncadd.s32 $0xFFFFC000  }
0x6f: {  	_ =	swait.ge [sflag:s25], $0x80  }
0x70: {  	[sflag:s25] =	ssyncset.done $0x0  }
0x71: {  	[sflag:s25] =	ssyncadd.s32 $0xFFFFFF80  }
0x72: {  	[spmem:s3] =	stream.indirect.scatter.add.f32 [tilespmem:s19], [sflag:$0x3], $0x1, s29, s21, $0xb8;
	[tilespmem:$0x1EB00] =	vst v63  }
0x73: {  	_ =	swait.ge [sflag:s26], $0x4000  }
0x74: {  	[sflag:s26] =	ssyncset.done $0x0  }
0x75: {  	[sflag:s26] =	ssyncadd.s32 $0xFFFFC000  }
0x76: {  	[spmem:s2] =	stream.indirect.scatter.add.f32 [tilespmem:s23], [sflag:$0x4], $0x80, s29, s21, $0xb8;
	[tilespmem:$0x1EB00] =	vst v63  }
0x77: {  	_ =	swait.ge [sflag:s17], $0x4000  }
.Ltmp1:
0x78: {  	[sflag:s17] =	ssyncset.done $0x0;
	(pc) =	sbr.rel @p0 .LBB2_2-.Ltmp1, $4  }
0x79: {  	[sflag:s17] =	ssyncadd.s32 $0xFFFFC000  }
0x7a: {  	_ =	swait.ge [sflag:s25], $0x80  }
0x7b: {  	[sflag:s25] =	ssyncset.done $0x0  }
0x7c: {  	s4 =	simm.s32 $0x1400;
	p1 =	por $0x0, $0x0;
	[sflag:s25] =	ssyncadd.s32 $0xFFFFFF80  }
0x7d: {  	[bflag:$0x0] =	sbarrier.arrive $0xFFFF  }
0x7e: {  	[hbm:s13], [sflag:s11] =	dma.local [spmem:s16], $0x2800  }
0x7f: {  	s0 =	sadd.s32 $0x1, s0;
	_ =	swait.ge [sflag:s17], $0x2800  }
0x80: {  	s4 =	simm.s32 $0x20;
	p0 =	sne.s32 s0, s15;
	[sflag:s17] =	ssyncset.done $0x0  }
.Ltmp2:
0x81: {  	s5 =	simm.s32 $0x10;
	[sflag:s17] =	ssyncadd.s32 $0xFFFFD800;
	(pc) =	sbr.rel @p0 .LBB2_1-.Ltmp2, $4  }
0x82: {  	[hbm:s14@s4], [sflag:s11] =	dma.strided [spmem:s18@s5], $0x50, s24, $0x10   }
0x83: {  	_ =	swait.ge [sflag:s17], $0x50  }
0x84: {  	[sflag:s17] =	ssyncset.done $0x0  }
0x85: {  	[sflag:s17] =	ssyncadd.s32 $0xFFFFFFB0  }
0x86: {  	_ =	sfence.sel $0x180000  }
0x87: {  	[bflag:$0x0] =	sbarrier.arrive $0xFFFF  }
0x88: {  	_ =	strace $0x90000047  }
0x89: {  	s0 =	stileid.u32;
	[bflag:$0x2] =	sbarrier.arrive $0xFFFF  }
0x8a: {  	p0 =	sne.s32 s0, $0x0;
	s0 =	rddreg [dreg:$0x5]  }
0x8b: {  	s0 =	sadd.s32 @!p0 $0x100000, s0  }
0x8c: {  	[sflag:s0] =	ssyncadd.tile.s32 @!p0 $0x1;
	_ =	shalt  }
.Lfunc_end2:
_tile_overlayer_lowered:
.L_overlay_start_2:
0x8d: {  	(tag) =	ssettag $0x2  }
0x8e: {  	s0 =	rddreg [dreg:$0x0];
	s2 =	stileid.u32  }
0x8f: {  	s1 =	rddreg [dreg:$0x1];
	p0 =	sne.s32 s2, $0x0  }
0x90: {  	s3 =	rddreg [dreg:$0x2];
	[bflag:$0x3] =	sbarrier.arrive $0xFFFF;
	s2 =	simm.s32 @!p0 $0x1C04  }
0x91: {  	[timem:s3], [sflag:s2] =	dma.local @!p0 [hbm:s0], s1  }
0x92: {  	s0 =	simm.s32 @!p0 $0x4  }
0x93: {  	_ =	swait.ge @!p0 [sflag:s0], s1  }
0x94: {  	s1 =	ssub.s32 @!p0 $0x0, s1;
	[sflag:s0] =	ssyncset.done @!p0 $0x0  }
0x95: {  	[sflag:s0] =	ssyncadd.s32 @!p0 s1  }
0x96: {  	[bflag:$0x3] =	sbarrier.arrive $0xFFFF  }
0x97: {  	_ =	shalt  }

// kernel: kernel.9.cloned.1.call-start
scs
__scs_entry_jumppad:
0x0: {  	(pc) =	sbr.rel $0x88, $3  }
0x1: {  	(tag) =	ssettag $0x0;
	lr =	simm.s32 $0x1  }
0x2: {  	[smem:$0x3F97] =	sst lr;
	_ =	strace $0xD0000000  }
0x3: {  	_ = 	snop  }
0x4: {  	_ = 	snop  }
0x5: {  	_ = 	snop  }
0x6: {  	_ = 	snop  }
0x7: {  	_ = 	snop  }
__scs_overlays_trampoline_lowered:
0x8: {  	[smem:$0x3FA6] =	sst s0  }
0x9: {  	[smem:$0x3FA7] =	sst s1  }
0xa: {  	[smem:$0x3FA8] =	sst s2  }
0xb: {  	[smem:$0x3FA9] =	sst s3  }
0xc: {  	[smem:$0x3FAA] =	sst s4  }
0xd: {  	[smem:$0x3FAB] =	sst s5  }
0xe: {  	[smem:$0x3FAC] =	sst s6  }
0xf: {  	[smem:$0x3FAD] =	sst s7  }
0x10: {  	[smem:$0x3FAE] =	sst s8  }
0x11: {  	[smem:$0x3FAF] =	sst s9;
	s0 =	simm.s32 @!p0 $0x0  }
0x12: {  	s1 =	sld [smem:$0x3F95];
	s0 =	simm.s32 @p0 $0x1  }
0x13: {  	[smem:$0x3FB0] =	sst s0;
	s0 =	simm.s32 @!p1 $0x0  }
0x14: {  	s2 =	sld [smem:$0x3F94];
	s0 =	simm.s32 @p1 $0x1  }
0x15: {  	[smem:$0x3FB1] =	sst s0;
	s0 =	simm.s32 @!p2 $0x0  }
0x16: {  	s3 =	sld [smem:$0x3FDB];
	s0 =	simm.s32 @p2 $0x1  }
0x17: {  	s4 =	simm.s32 $0x1BF5;
	[smem:$0x3FB3] =	sst s0  }
0x18: {  	s0 =	sld [smem:$0x3F96];
	_ =	swait.ge [sflag:s4], $0x0  }
0x19: {  	s7 =	sld [smem:$0x3F97]  }
0x1a: {  	s8 =	sadd.s32 $0xFFFFE003, lr  }
0x1b: {  	s9 =	sadd.s32 $0xFFFFFEF7, lr;
	s5 =	simm.s32 $0xFFFFFFFF;
	p2 =	slt.u32 s8, $0xFFFFF086  }
0x1c: {  	p1 =	slt.u32 s9, $0xF7A;
	s5 =	simm.s32 @!p2 $0x0  }
0x1d: {  	s5 =	simm.s32 @p1 $0x1;
	p0 =	seq.s32 s7, s2  }
0x1e: {  	s7 =	smul.u32 @!p0 $0xF7A, s2;
	p2 =	seq.s32 @!p0 s5, $0x0  }
0x1f: {  	s9 =	smul.u32 $0xF7A, s1;
	s8 =	simm.s32 @!p0 $0x1BF5;
	p2 =	por !p2, p0  }
0x20: {  	[sflag:s8] =	ssyncset.s32 @!p0 $0xFFFFF086;
	s6 =	sadd.s32 @!p0 s3, s7;
	s7 =	simm.s32 @!p0 $0x108  }
0x21: {  	s3 =	sadd.s32 s3, s9;
	s6 =	sadd.s32 @!p0 $0x88, s6;
	s7 =	simm.s32 @p2 $0x1082  }
0x22: {  	[simem:s7], [sflag:s8] =	dma.local @!p0 [hbm:s6], $0xF7A  }
0x23: {  	s9 =	sor.u32 $0xD0000000, s2;
	s6 =	simm.s32 $0x108;
	_ =	swait.ge @!p0 [sflag:s8], $0x0  }
0x24: {  	s3 =	sadd.s32 $0x88, s3;
	s6 =	simm.s32 @!p1 $0x1082;
	[sflag:s4] =	ssyncset.s32 $0xFFFFF086  }
0x25: {  	[simem:s6], [sflag:s4] =	dma.local [hbm:s3], $0xF7A  }
0x26: {  	[smem:$0x3F97] =	sst s1;
	(tag) =	ssettag s2;
	_ =	strace s9  }
0x27: {  	s1 =	sld [smem:$0x3FA7]  }
0x28: {  	s2 =	sld [smem:$0x3FA8]  }
0x29: {  	s4 =	sld [smem:$0x3FAA]  }
0x2a: {  	p0 =	seq.s32 s5, $0x0;
	s5 =	sld [smem:$0x3FAB]  }
0x2b: {  	s6 =	sld [smem:$0x3FAC]  }
0x2c: {  	s7 =	sld [smem:$0x3FAD]  }
0x2d: {  	s3 =	simm.s32 $0x108;
	s8 =	sld [smem:$0x3FAE]  }
0x2e: {  	s3 =	simm.s32 @!p0 $0x1082;
	s9 =	sld [smem:$0x3FAF]  }
0x2f: {  	lr =	sadd.s32 s0, s3;
	s0 =	sld [smem:$0x3FA6]  }
0x30: {  	s3 =	sld [smem:$0x3FA9]  }
0x31: {  	[smem:$0x3FB2] =	sst s10  }
0x32: {  	s10 =	sld [smem:$0x3FB0];
	_ =	sdelay $0x3  }
0x33: {  	p0 =	seq.s32 s10, $0x1;
	s10 =	sld [smem:$0x3FB2];
	_ =	sdelay $0x3  }
0x34: {  	[smem:$0x3FB2] =	sst s10  }
0x35: {  	s10 =	sld [smem:$0x3FB1];
	_ =	sdelay $0x3  }
0x36: {  	p1 =	seq.s32 s10, $0x1;
	s10 =	sld [smem:$0x3FB2];
	_ =	sdelay $0x3  }
0x37: {  	[smem:$0x3FB2] =	sst s10  }
0x38: {  	s10 =	sld [smem:$0x3FB3]  }
0x39: {  	_ = 	snop;
	(pc) =	sbr.ind lr, $3  }
0x3a: {  	_ = 	snop  }
0x3b: {  	_ = 	snop  }
0x3c: {  	p2 =	seq.s32 s10, $0x1;
	s10 =	sld [smem:$0x3FB2]  }
0x3d: {  	_ =	shalt  }
0x3e: {  	_ =	shalt  }
0x3f: {  	_ =	shalt  }
0x40: {  	_ =	shalt  }
0x41: {  	_ =	shalt  }
0x42: {  	_ =	shalt  }
0x43: {  	_ =	shalt  }
0x44: {  	_ =	shalt  }
0x45: {  	_ =	shalt  }
0x46: {  	_ =	shalt  }
0x47: {  	_ =	shalt  }
0x48: {  	_ =	shalt  }
0x49: {  	_ =	shalt  }
0x4a: {  	_ =	shalt  }
0x4b: {  	_ =	shalt  }
0x4c: {  	_ =	shalt  }
0x4d: {  	_ =	shalt  }
0x4e: {  	_ =	shalt  }
0x4f: {  	_ =	shalt  }
0x50: {  	_ =	shalt  }
0x51: {  	_ =	shalt  }
0x52: {  	_ =	shalt  }
0x53: {  	_ =	shalt  }
0x54: {  	_ =	shalt  }
0x55: {  	_ =	shalt  }
0x56: {  	_ =	shalt  }
0x57: {  	_ =	shalt  }
0x58: {  	_ =	shalt  }
0x59: {  	_ =	shalt  }
0x5a: {  	_ =	shalt  }
0x5b: {  	_ =	shalt  }
0x5c: {  	_ =	shalt  }
0x5d: {  	_ =	shalt  }
0x5e: {  	_ =	shalt  }
0x5f: {  	_ =	shalt  }
0x60: {  	_ =	shalt  }
0x61: {  	_ =	shalt  }
0x62: {  	_ =	shalt  }
0x63: {  	_ =	shalt  }
0x64: {  	_ =	shalt  }
0x65: {  	_ =	shalt  }
0x66: {  	_ =	shalt  }
0x67: {  	_ =	shalt  }
0x68: {  	_ =	shalt  }
0x69: {  	_ =	shalt  }
0x6a: {  	_ =	shalt  }
0x6b: {  	_ =	shalt  }
0x6c: {  	_ =	shalt  }
0x6d: {  	_ =	shalt  }
0x6e: {  	_ =	shalt  }
0x6f: {  	_ =	shalt  }
0x70: {  	_ =	shalt  }
0x71: {  	_ =	shalt  }
0x72: {  	_ =	shalt  }
0x73: {  	_ =	shalt  }
0x74: {  	_ =	shalt  }
0x75: {  	_ =	shalt  }
0x76: {  	_ =	shalt  }
0x77: {  	_ =	shalt  }
0x78: {  	_ =	shalt  }
0x79: {  	_ =	shalt  }
0x7a: {  	_ =	shalt  }
0x7b: {  	_ =	shalt  }
0x7c: {  	_ =	shalt  }
0x7d: {  	_ =	shalt  }
0x7e: {  	_ =	shalt  }
0x7f: {  	_ =	shalt  }
0x80: {  	_ =	shalt  }
0x81: {  	_ =	shalt  }
0x82: {  	_ =	shalt  }
0x83: {  	_ =	shalt  }
0x84: {  	_ =	shalt  }
0x85: {  	_ =	shalt  }
0x86: {  	_ =	shalt  }
0x87: {  	_ =	shalt  }
.Lfunc_end0:
.L_simem_size_0:
called_computation.1_lowered:
.L_overlay_start_0:
0x88: {  	s2 =	sld [smem:$0x3FD9]  }
0x89: {  	s3 =	sld [smem:$0x3FFE];
	_ =	sdelay $0x1  }
0x8a: {  	s1 =	srdreg.scid  }
0x8b: {  	s0 =	sand.u32 $0x1, s1  }
0x8c: {  	s17 =	sshll.u32 s0, $0xA;
	s2 =	sadd.s32 s3, s2  }
0x8d: {  	s2 =	sadd.s32 s2, s17  }
0x8e: {  	[smem:$0x3FBE] =	sst s2  }
0x8f: {  	_ = 	snop  }
0x90: {  	s2 =	sld [smem:$0x3FD0];
	(tm) =	ssettm $0x1  }
0x91: {  	s18 =	sld [smem:$0x3FFB];
	_ =	sdelay $0x3  }
0x92: {  	_ =	strace s18  }
0x93: {  	s3 =	sld [smem:$0x3FFC];
	_ =	sdelay $0x3  }
0x94: {  	_ =	strace s3  }
0x95: {  	s3 =	sld [smem:$0x3FFD];
	_ =	sdelay $0x3  }
0x96: {  	_ =	strace s3  }
0x97: {  	_ =	strace $0x8FFFFFFF  }
0x98: {  	s19 =	sld [smem:$0x3FDB];
	_ =	sdelay $0x1  }
0x99: {  	s4 =	simm.s32 $_scs_section_size  }
0x9a: {  	s5 =	simm.s32 $_size__tile_overlayer_lowered;
	s6 =	simm.s32 $_tile_overlayer_lowered  }
0x9b: {  	s22 =	simm.s32 $0x1BFF;
	s21 =	sshll.u32 s6, $0x1;
	s3 =	sadd.s32 s4, s19  }
0x9c: {  	s7 =	simm.s32 $0x0;
	s20 =	sshll.u32 s5, $0x1;
	s5 =	sadd.s32 s21, s3  }
0x9d: {  	[timem:s7], [sflag:s22] =	dma.local [hbm:s5], s20  }
0x9e: {  	_ =	swait.ge [sflag:s22], s20  }
0x9f: {  	s4 =	ssub.s32 $0x0, s20;
	[sflag:s22] =	ssyncset.done $0x0  }
0xa0: {  	[sflag:s22] =	ssyncadd.s32 s4;
	_ =	sdelay $0x1  }
0xa1: {  	s23 =	simm.s32 $0x1B8B  }
0xa2: {  	_ =	swait.ge [sflag:s23], $0x1  }
0xa3: {  	[sflag:s23] =	ssyncset.done $0x0  }
0xa4: {  	s25 =	simm.s32 $0x1B8E;
	s24 =	sld [smem:$0x3FFE];
	[sflag:s23] =	ssyncadd.s32 $0xFFFFFFFF  }
0xa5: {  	s26 =	simm.s32 $execute0_lowered;
	[smem:$0x3FD2] =	sst s25  }
0xa6: {  	s5 =	sshll.u32 s26, $0x1;
	_ =	strace $0x80000049;
	[dreg:$0x1] =	wrdreg $0xFFFFFFFF  }
0xa7: {  	s28 =	simm.s32 $_size_execute0_lowered;
	s3 =	sadd.s32 s3, s5;
	[dreg:$0x0] =	wrdreg $0x0  }
0xa8: {  	s5 =	sshll.u32 s28, $0x1;
	[dreg:$0x2] =	wrdreg s3  }
0xa9: {  	[dreg:$0x3] =	wrdreg s5  }
0xaa: {  	[dreg:$0x4] =	wrdreg $0xC0  }
0xab: {  	_ =	task [dreg:s7], $0x5FFFF  }
0xac: {  	[dreg:$0x1] =	wrdreg $0xFFFFFFFF  }
0xad: {  	[dreg:$0x0] =	wrdreg $0x60  }
0xae: {  	[dreg:$0x2] =	wrdreg s2  }
0xaf: {  	[dreg:$0x3] =	wrdreg s24  }
0xb0: {  	[dreg:$0x4] =	wrdreg $0xA8000  }
0xb1: {  	[dreg:$0x5] =	wrdreg $0x9  }
0xb2: {  	_ =	task.clear_ibuf [dreg:s7], $0x6FFFF;
	_ =	strace $0x90000049  }
0xb3: {  	s29 =	simm.s32 $0x9;
	_ =	strace $0x8000004B  }
0xb4: {  	_ =	swait.ge [sflag:s29], $0x1  }
0xb5: {  	[sflag:s29] =	ssyncadd.s32 $0xFFFFFFFF  }
0xb6: {  	_ =	strace $0x9000004B  }
0xb7: {  	_ =	sfence  }
0xb8: {  	s30 =	sld [smem:$0x0];
	_ =	sdelay $0x2  }
0xb9: {  	s31 =	sshll.u32 s1, $0xD;
	s1 =	sshrl.u32 s1, $0x2  }
0xba: {  	s3 =	sand.u32 $0x4000, s31;
	s1 =	sadd.s32 s1, s30  }
0xbb: {  	s0 =	sor.u32 s3, s0;
	s1 =	sshll.u32 s1, $0x11  }
0xbc: {  	s0 =	sor.u32 s1, s0  }
0xbd: {  	s0 =	sadd.s32 $0x8F2B, s0  }
0xbe: {  	[sflag:s0] =	ssyncadd.remote.s32 $0x1  }
0xbf: {  	_ =	sfence.sel $0xFFFF  }
0xc0: {  	[dreg:$0x0] =	wrdreg $0xFFFFFFFF;
	(pc) =	sbr.abs _section_cstart, $3  }
0xc1: {  	[dreg:$0x1] =	wrdreg $0xFFFFFFFF  }
0xc2: {  	_ =	task.clear_ibuf [dreg:s7], $0x2FFFF;
	_ =	strace $0x9FFFFFFF  }
0xc3: {  	(tm) =	ssettm $0x7FFFFFFF  }
tec
execute0_lowered:
.L_overlay_start_1:
0x0: {  	(tag) =	ssettag $0x1  }
0x1: {  	s1 =	rddreg [dreg:$0x0]  }
0x2: {  	s6 =	rddreg [dreg:$0x1]  }
0x3: {  	s2 =	rddreg [dreg:$0x2]  }
0x4: {  	s3 =	srdreg.scid;
	s0 =	rddreg [dreg:$0x3];
	s4 =	simm.s32 $0x0  }
0x5: {  	s16 =	simm.s32 $0x80;
	s17 =	simm.s32 $0x2800;
	s18 =	simm.s32 $0x6800  }
0x6: {  	s19 =	simm.s32 $0x1;
	s20 =	simm.s32 $0x2;
	s21 =	simm.s32 $0x2700  }
0x7: {  	s22 =	simm.s32 $0x2780;
	s7 =	sand.u32 $0x1, s3;
	s3 =	stileid.u32  }
0x8: {  	s23 =	simm.s32 $0x0;
	[smem:$0x7FF] =	sst s4;
	s5 =	smul.u32 $0x140000, s7  }
0x9: {  	s11 =	sadd.s32 $0xC400, s6;
	s12 =	sadd.s32 $0x2400, s6;
	s8 =	smul.u32 $0x14000, s3  }
0xa: {  	_ =	strace $0x8000004A;
	s9 =	sshll.u32 s3, $0x1;
	s10 =	ssub.s32 $0x2, s7  }
0xb: {  	s28 =	smul.u32 $0x50000, s3;
	s31 =	sshll.u32 s3, $0x6;
	s7 =	sor.u32 s7, s9  }
0xc: {  	s29 =	sshrl.u32 s10, $0x1;
	s8 =	sadd.s32 s8, s5;
	s5 =	sadd.s32 $0x16800, s6  }
0xd: {  	s7 =	smul.u32 $0x2800, s7;
	s30 =	sshrl.u32 s28, $0x2;
	s8 =	sshrl.u32 s8, $0x3  }
0xe: {  	s10 =	ssub.s32 s10, s29;
	s13 =	sadd.s32 s30, s2;
	s8 =	sadd.s32 s8, s6  }
0xf: {  	s6 =	sor.u32 $0x1C03, s31;
	s14 =	sshrl.u32 s7, $0x3;
	s13 =	sshrl.u32 s13, $0x3  }
0x10: {  	s7 =	sadd.s32 $0x19000, s8;
	s8 =	smax.u32 s10, $0x1;
	s15 =	sadd.s32 $0x280, s14  }
0x11: {  	s9 =	sadd.s32 s11, s14;
	s10 =	sadd.s32 s12, s14;
	s14 =	simm.s32 $0x3  }
0x12: {  	s11 =	sadd.s32 s11, s15;
	s12 =	sadd.s32 s12, s15;
	s15 =	simm.s32 $0x1400  }
.LBB2_1:
0x13: {  	[spmem:s13], [sflag:s6] =	dma.local [hbm:s5], $0x2800  }
0x14: {  	_ =	swait.ge [sflag:s14], $0x2800  }
0x15: {  	[sflag:s14] =	ssyncset.done $0x0  }
0x16: {  	[sflag:s14] =	ssyncadd.s32 $0xFFFFD800  }
0x17: {  	[bflag:$0x0] =	sbarrier.arrive $0xFFFF  }
0x18: {  	[tilespmem:s4], [sflag:$0x3] =	stream.linear.gather [hbm4b:s9+s4], $0x1400, $0x38;
	[tilespmem:$0x1E800] =	vst v63  }
0x19: {  	_ =	swait.ge [sflag:s14], $0x1400  }
0x1a: {  	[sflag:s14] =	ssyncset.done $0x0  }
0x1b: {  	[sflag:s14] =	ssyncadd.s32 $0xFFFFEC00  }
0x1c: {  	[tilespmem:s15], [sflag:$0x3] =	stream.linear.gather [hbm4b:s10+s4], $0x1400, $0x38;
	[tilespmem:$0x1E800] =	vst v63  }
0x1d: {  	_ =	swait.ge [sflag:s14], $0x1400  }
0x1e: {  	[sflag:s14] =	ssyncset.done $0x0  }
0x1f: {  	[sflag:s14] =	ssyncadd.s32 $0xFFFFEC00  }
0x20: {  	[tilespmem:s17], [sflag:$0x1] =	stream.indirect.gather [hbm4b:s1+s16], $0x80, s4, s16, $0xb8;
	[tilespmem:$0x1E800] =	vst v63  }
0x21: {  	_ = 	snop  }
0x22: {  	[tilespmem:s18], [sflag:$0x2] =	stream.indirect.gather [hbm4b:s1+s16], $0x80, s16, s16, $0xb8;
	[tilespmem:$0x1E800] =	vst v63  }
0x23: {  	_ =	swait.ge [sflag:s19], $0x4000  }
0x24: {  	[sflag:s19] =	ssyncset.done $0x0  }
0x25: {  	s24 =	simm.s32 $0x1400;
	[sflag:s19] =	ssyncadd.s32 $0xFFFFC000  }
0x26: {  	[spmem:s2] =	stream.indirect.scatter.add.f32 [tilespmem:s17], [sflag:$0x3], $0x80, s24, s16, $0xb8;
	[tilespmem:$0x1E800] =	vst v63  }
0x27: {  	_ =	swait.ge [sflag:s14], $0x4000  }
0x28: {  	[sflag:s14] =	ssyncset.done $0x0  }
0x29: {  	s30 =	simm.s32 $0x100;
	[sflag:s14] =	ssyncadd.s32 $0xFFFFC000  }
0x2a: {  	[tilespmem:s17], [sflag:$0x1] =	stream.indirect.gather [hbm4b:s1+s16], $0x80, s30, s16, $0xb8;
	[tilespmem:$0x1E800] =	vst v63  }
0x2b: {  	_ =	swait.ge [sflag:s20], $0x4000  }
0x2c: {  	[sflag:s20] =	ssyncset.done $0x0  }
0x2d: {  	s31 =	simm.s32 $0x1480;
	[sflag:s20] =	ssyncadd.s32 $0xFFFFC000  }
0x2e: {  	[spmem:s2] =	stream.indirect.scatter.add.f32 [tilespmem:s18], [sflag:$0x3], $0x80, s31, s16, $0xb8;
	[tilespmem:$0x1E800] =	vst v63  }
0x2f: {  	_ =	swait.ge [sflag:s14], $0x4000  }
0x30: {  	[sflag:s14] =	ssyncset.done $0x0  }
0x31: {  	s25 =	simm.s32 $0x180;
	s24 =	simm.s32 $0x400;
	[sflag:s14] =	ssyncadd.s32 $0xFFFFC000  }
.LBB2_2:
0x32: {  	[tilespmem:s18], [sflag:$0x2] =	stream.indirect.gather [hbm4b:s1+s16], $0x80, s25, s16, $0xb8;
	[tilespmem:$0x1E800] =	vst v63  }
0x33: {  	s25 =	smov.u32 s24  }
0x34: {  	p0 =	sne.s32 s24, $0x4800;
	s24 =	sadd.s32 $0x400, s24;
	_ =	swait.ge [sflag:s19], $0x4000  }
0x35: {  	s25 =	sshra.s32 s25, $0x2;
	[sflag:s19] =	ssyncset.done $0x0  }
0x36: {  	s26 =	sadd.s32 $0x1400, s25;
	[sflag:s19] =	ssyncadd.s32 $0xFFFFC000  }
0x37: {  	[spmem:s2] =	stream.indirect.scatter.add.f32 [tilespmem:s17], [sflag:$0x3], $0x80, s26, s16, $0xb8;
	[tilespmem:$0x1E800] =	vst v63  }
0x38: {  	_ =	swait.ge [sflag:s14], $0x4000  }
0x39: {  	[sflag:s14] =	ssyncset.done $0x0  }
0x3a: {  	s26 =	sadd.s32 $0x100, s25;
	[sflag:s14] =	ssyncadd.s32 $0xFFFFC000  }
0x3b: {  	[tilespmem:s17], [sflag:$0x1] =	stream.indirect.gather [hbm4b:s1+s16], $0x80, s26, s16, $0xb8;
	[tilespmem:$0x1E800] =	vst v63  }
0x3c: {  	_ =	swait.ge [sflag:s20], $0x4000  }
0x3d: {  	[sflag:s20] =	ssyncset.done $0x0  }
.Ltmp0:
0x3e: {  	s26 =	sadd.s32 $0x1480, s25;
	[sflag:s20] =	ssyncadd.s32 $0xFFFFC000;
	(pc) =	sbr.rel @p0 .LBB2_2-.Ltmp0, $4  }
0x3f: {  	[spmem:s2] =	stream.indirect.scatter.add.f32 [tilespmem:s18], [sflag:$0x3], $0x80, s26, s16, $0xb8;
	[tilespmem:$0x1E800] =	vst v63  }
0x40: {  	_ =	swait.ge [sflag:s14], $0x4000  }
0x41: {  	[sflag:s14] =	ssyncset.done $0x0  }
0x42: {  	s25 =	sadd.s32 $0x180, s25;
	[sflag:s14] =	ssyncadd.s32 $0xFFFFC000  }
0x43: {  	[tilespmem:s18], [sflag:$0x2] =	stream.indirect.gather [hbm4b:s1+s16], $0x80, s25, s16, $0xb8;
	[tilespmem:$0x1E800] =	vst v63  }
0x44: {  	_ =	swait.ge [sflag:s19], $0x4000  }
0x45: {  	[sflag:s19] =	ssyncset.done $0x0  }
0x46: {  	[sflag:s19] =	ssyncadd.s32 $0xFFFFC000  }
0x47: {  	[spmem:s2] =	stream.indirect.scatter.add.f32 [tilespmem:s17], [sflag:$0x3], $0x80, s21, s16, $0xb8;
	[tilespmem:$0x1E800] =	vst v63  }
0x48: {  	_ =	swait.ge [sflag:s14], $0x4000  }
0x49: {  	[sflag:s14] =	ssyncset.done $0x0  }
0x4a: {  	[sflag:s14] =	ssyncadd.s32 $0xFFFFC000  }
0x4b: {  	_ =	swait.ge [sflag:s20], $0x4000  }
0x4c: {  	[sflag:s20] =	ssyncset.done $0x0  }
0x4d: {  	[sflag:s20] =	ssyncadd.s32 $0xFFFFC000  }
0x4e: {  	[spmem:s2] =	stream.indirect.scatter.add.f32 [tilespmem:s18], [sflag:$0x3], $0x80, s22, s16, $0xb8;
	[tilespmem:$0x1E800] =	vst v63  }
0x4f: {  	_ =	swait.ge [sflag:s14], $0x4000  }
0x50: {  	[sflag:s14] =	ssyncset.done $0x0  }
0x51: {  	s24 =	simm.s32 $0x0;
	[sflag:s14] =	ssyncadd.s32 $0xFFFFC000  }
0x52: {  	[tilespmem:s24], [sflag:$0x3] =	stream.linear.gather [hbm4b:s11+s24], $0x1400, $0x38;
	[tilespmem:$0x1E800] =	vst v63  }
0x53: {  	_ =	swait.ge [sflag:s14], $0x1400  }
0x54: {  	[sflag:s14] =	ssyncset.done $0x0  }
0x55: {  	[sflag:s14] =	ssyncadd.s32 $0xFFFFEC00  }
0x56: {  	[tilespmem:s15], [sflag:$0x3] =	stream.linear.gather [hbm4b:s12+s24], $0x1400, $0x38;
	[tilespmem:$0x1E800] =	vst v63  }
0x57: {  	_ =	swait.ge [sflag:s14], $0x1400  }
0x58: {  	[sflag:s14] =	ssyncset.done $0x0  }
0x59: {  	[sflag:s14] =	ssyncadd.s32 $0xFFFFEC00  }
0x5a: {  	[tilespmem:s17], [sflag:$0x1] =	stream.indirect.gather [hbm4b:s1+s16], $0x80, s24, s16, $0xb8;
	[tilespmem:$0x1E800] =	vst v63  }
0x5b: {  	_ = 	snop  }
0x5c: {  	[tilespmem:s18], [sflag:$0x2] =	stream.indirect.gather [hbm4b:s1+s16], $0x80, s16, s16, $0xb8;
	[tilespmem:$0x1E800] =	vst v63  }
0x5d: {  	_ =	swait.ge [sflag:s19], $0x4000  }
0x5e: {  	[sflag:s19] =	ssyncset.done $0x0  }
0x5f: {  	s29 =	simm.s32 $0x1400;
	[sflag:s19] =	ssyncadd.s32 $0xFFFFC000  }
0x60: {  	[spmem:s2] =	stream.indirect.scatter.add.f32 [tilespmem:s17], [sflag:$0x3], $0x80, s29, s16, $0xb8;
	[tilespmem:$0x1E800] =	vst v63  }
0x61: {  	_ =	swait.ge [sflag:s14], $0x4000  }
0x62: {  	[sflag:s14] =	ssyncset.done $0x0  }
0x63: {  	s30 =	simm.s32 $0x100;
	[sflag:s14] =	ssyncadd.s32 $0xFFFFC000  }
0x64: {  	[tilespmem:s17], [sflag:$0x1] =	stream.indirect.gather [hbm4b:s1+s16], $0x80, s30, s16, $0xb8;
	[tilespmem:$0x1E800] =	vst v63  }
0x65: {  	_ =	swait.ge [sflag:s20], $0x4000  }
0x66: {  	[sflag:s20] =	ssyncset.done $0x0  }
0x67: {  	s31 =	simm.s32 $0x1480;
	[sflag:s20] =	ssyncadd.s32 $0xFFFFC000  }
0x68: {  	[spmem:s2] =	stream.indirect.scatter.add.f32 [tilespmem:s18], [sflag:$0x3], $0x80, s31, s16, $0xb8;
	[tilespmem:$0x1E800] =	vst v63  }
0x69: {  	_ =	swait.ge [sflag:s14], $0x4000  }
0x6a: {  	[sflag:s14] =	ssyncset.done $0x0  }
0x6b: {  	s25 =	simm.s32 $0x180;
	s24 =	simm.s32 $0x400;
	[sflag:s14] =	ssyncadd.s32 $0xFFFFC000  }
.LBB2_4:
0x6c: {  	[tilespmem:s18], [sflag:$0x2] =	stream.indirect.gather [hbm4b:s1+s16], $0x80, s25, s16, $0xb8;
	[tilespmem:$0x1E800] =	vst v63  }
0x6d: {  	s25 =	smov.u32 s24  }
0x6e: {  	p0 =	sne.s32 s24, $0x4800;
	s24 =	sadd.s32 $0x400, s24;
	_ =	swait.ge [sflag:s19], $0x4000  }
0x6f: {  	s25 =	sshra.s32 s25, $0x2;
	[sflag:s19] =	ssyncset.done $0x0  }
0x70: {  	s26 =	sadd.s32 $0x1400, s25;
	[sflag:s19] =	ssyncadd.s32 $0xFFFFC000  }
0x71: {  	[spmem:s2] =	stream.indirect.scatter.add.f32 [tilespmem:s17], [sflag:$0x3], $0x80, s26, s16, $0xb8;
	[tilespmem:$0x1E800] =	vst v63  }
0x72: {  	_ =	swait.ge [sflag:s14], $0x4000  }
0x73: {  	[sflag:s14] =	ssyncset.done $0x0  }
0x74: {  	s26 =	sadd.s32 $0x100, s25;
	[sflag:s14] =	ssyncadd.s32 $0xFFFFC000  }
0x75: {  	[tilespmem:s17], [sflag:$0x1] =	stream.indirect.gather [hbm4b:s1+s16], $0x80, s26, s16, $0xb8;
	[tilespmem:$0x1E800] =	vst v63  }
0x76: {  	_ =	swait.ge [sflag:s20], $0x4000  }
0x77: {  	[sflag:s20] =	ssyncset.done $0x0  }
.Ltmp1:
0x78: {  	s26 =	sadd.s32 $0x1480, s25;
	[sflag:s20] =	ssyncadd.s32 $0xFFFFC000;
	(pc) =	sbr.rel @p0 .LBB2_4-.Ltmp1, $4  }
0x79: {  	[spmem:s2] =	stream.indirect.scatter.add.f32 [tilespmem:s18], [sflag:$0x3], $0x80, s26, s16, $0xb8;
	[tilespmem:$0x1E800] =	vst v63  }
0x7a: {  	_ =	swait.ge [sflag:s14], $0x4000  }
0x7b: {  	[sflag:s14] =	ssyncset.done $0x0  }
0x7c: {  	s25 =	sadd.s32 $0x180, s25;
	[sflag:s14] =	ssyncadd.s32 $0xFFFFC000  }
0x7d: {  	[tilespmem:s18], [sflag:$0x2] =	stream.indirect.gather [hbm4b:s1+s16], $0x80, s25, s16, $0xb8;
	[tilespmem:$0x1E800] =	vst v63  }
0x7e: {  	_ =	swait.ge [sflag:s19], $0x4000  }
0x7f: {  	[sflag:s19] =	ssyncset.done $0x0  }
0x80: {  	[sflag:s19] =	ssyncadd.s32 $0xFFFFC000  }
0x81: {  	[spmem:s2] =	stream.indirect.scatter.add.f32 [tilespmem:s17], [sflag:$0x3], $0x80, s21, s16, $0xb8;
	[tilespmem:$0x1E800] =	vst v63  }
0x82: {  	_ =	swait.ge [sflag:s14], $0x4000  }
0x83: {  	[sflag:s14] =	ssyncset.done $0x0  }
0x84: {  	[sflag:s14] =	ssyncadd.s32 $0xFFFFC000  }
0x85: {  	_ =	swait.ge [sflag:s20], $0x4000  }
0x86: {  	[sflag:s20] =	ssyncset.done $0x0  }
0x87: {  	[sflag:s20] =	ssyncadd.s32 $0xFFFFC000  }
0x88: {  	[spmem:s2] =	stream.indirect.scatter.add.f32 [tilespmem:s18], [sflag:$0x3], $0x80, s22, s16, $0xb8;
	[tilespmem:$0x1E800] =	vst v63  }
0x89: {  	_ =	swait.ge [sflag:s14], $0x4000  }
0x8a: {  	s23 =	sadd.s32 $0x1, s23;
	[sflag:s14] =	ssyncset.done $0x0  }
0x8b: {  	p0 =	sne.s32 s23, s8;
	[sflag:s14] =	ssyncadd.s32 $0xFFFFC000  }
.Ltmp2:
0x8c: {  	[bflag:$0x0] =	sbarrier.arrive $0xFFFF;
	(pc) =	sbr.rel @p0 .LBB2_1-.Ltmp2, $4  }
0x8d: {  	[hbm:s7], [sflag:s6] =	dma.local [spmem:s13], $0x2800  }
0x8e: {  	_ =	swait.ge [sflag:s14], $0x2800  }
0x8f: {  	[sflag:s14] =	ssyncset.done $0x0  }
0x90: {  	[sflag:s14] =	ssyncadd.s32 $0xFFFFD800  }
0x91: {  	_ =	sfence.sel $0x180000  }
0x92: {  	[bflag:$0x0] =	sbarrier.arrive $0xFFFF  }
0x93: {  	p0 =	sne.s32 s3, $0x0;
	_ =	strace $0x9000004A  }
0x94: {  	s0 =	sadd.s32 @!p0 $0x100000, s0;
	[bflag:$0x2] =	sbarrier.arrive $0xFFFF  }
0x95: {  	[sflag:s0] =	ssyncadd.tile.s32 @!p0 $0x1;
	_ =	shalt  }
.Lfunc_end2:
_tile_overlayer_lowered:
.L_overlay_start_2:
0x96: {  	(tag) =	ssettag $0x2  }
0x97: {  	s0 =	rddreg [dreg:$0x0];
	s2 =	stileid.u32  }
0x98: {  	s1 =	rddreg [dreg:$0x1];
	p0 =	sne.s32 s2, $0x0  }
0x99: {  	s3 =	rddreg [dreg:$0x2];
	[bflag:$0x3] =	sbarrier.arrive $0xFFFF;
	s2 =	simm.s32 @!p0 $0x1C03  }
0x9a: {  	[timem:s3], [sflag:s2] =	dma.local @!p0 [hbm:s0], s1  }
0x9b: {  	s0 =	simm.s32 @!p0 $0x3  }
0x9c: {  	_ =	swait.ge @!p0 [sflag:s0], s1  }
0x9d: {  	s1 =	ssub.s32 @!p0 $0x0, s1;
	[sflag:s0] =	ssyncset.done @!p0 $0x0  }
0x9e: {  	[sflag:s0] =	ssyncadd.s32 @!p0 s1  }
0x9f: {  	[bflag:$0x3] =	sbarrier.arrive $0xFFFF  }
0xa0: {  	_ =	shalt  }

</sc_bundles>
